<compile_context>
chip_gen: v7x
topology: tpu7x:2x2x1
jax: 0.10.2.dev20260603
libtpu: 0.0.44.dev20260713+nightly
codegen_flags: <defaults>
</compile_context>

<pallas_src>
import functools

import jax
import jax.numpy as jnp
from jax import lax
from jax.experimental import pallas as pl
from jax.experimental.pallas import tpu as pltpu
from jax.experimental.pallas import tpu_sc as plsc

N_NODES = 10000
D = 128
NP = 10240
NC, NS = 2, 16
NW = NC * NS
CHUNK = 128
NCH = 80
ROWS_PER_TILE = NP // NS
DEG_W = 128
BN = 256


def _sc_agg_body(table, src_hbm, dst_hbm, zrows,
                 out_acc, src_v, dst_v, rows_v, acc_sh, sem):
    c = lax.axis_index("c")
    s = lax.axis_index("s")
    wid = c * NS + s
    base = s * ROWS_PER_TILE
    pltpu.sync_copy(zrows, acc_sh.at[pl.ds(base, ROWS_PER_TILE)])
    pltpu.sync_copy(src_hbm.at[wid], src_v)
    pltpu.sync_copy(dst_hbm.at[wid], dst_v)
    plsc.subcore_barrier()

    def step(j, carry):
        pltpu.async_copy(table.at[src_v.at[j]], rows_v, sem).wait()
        pltpu.sync_copy(rows_v, acc_sh.at[dst_v.at[j]], add=True)
        return carry

    lax.fori_loop(0, NCH, step, 0)
    plsc.subcore_barrier()
    pltpu.sync_copy(acc_sh.at[pl.ds(base, ROWS_PER_TILE)],
                    out_acc.at[c, pl.ds(base, ROWS_PER_TILE)])


def _sc_deg_body(dst_hbm, zdeg_hbm, ones_hbm,
                 out_deg, dst_v, ones_v, deg_sh, sem):
    c = lax.axis_index("c")
    s = lax.axis_index("s")
    wid = c * NS + s
    base = s * ROWS_PER_TILE
    pltpu.sync_copy(zdeg_hbm, deg_sh.at[pl.ds(base, ROWS_PER_TILE)])
    pltpu.sync_copy(ones_hbm, ones_v)
    pltpu.sync_copy(dst_hbm.at[wid], dst_v)
    plsc.subcore_barrier()

    def step(j, carry):
        pltpu.sync_copy(ones_v, deg_sh.at[dst_v.at[j]], add=True)
        return carry

    lax.fori_loop(0, NCH, step, 0)
    plsc.subcore_barrier()
    pltpu.sync_copy(deg_sh.at[pl.ds(base, ROWS_PER_TILE)],
                    out_deg.at[c, pl.ds(base, ROWS_PER_TILE)])


def _make_sc_agg():
    mesh = plsc.VectorSubcoreMesh(core_axis_name="c", subcore_axis_name="s", num_cores=NC, num_subcores=NS)
    return pl.kernel(
        _sc_agg_body,
        out_type=jax.ShapeDtypeStruct((NC, NP, D), jnp.float32),
        mesh=mesh,
        scratch_types=[
            pltpu.VMEM((NCH, CHUNK), jnp.int32),
            pltpu.VMEM((NCH, CHUNK), jnp.int32),
            pltpu.VMEM((CHUNK, D), jnp.float32),
            pltpu.VMEM_SHARED((NP, D), jnp.float32),
            pltpu.SemaphoreType.DMA,
        ],
    )


def _make_sc_deg():
    mesh = plsc.VectorSubcoreMesh(core_axis_name="c", subcore_axis_name="s", num_cores=NC, num_subcores=NS)
    return pl.kernel(
        _sc_deg_body,
        out_type=jax.ShapeDtypeStruct((NC, NP, DEG_W), jnp.float32),
        mesh=mesh,
        scratch_types=[
            pltpu.VMEM((NCH, CHUNK), jnp.int32),
            pltpu.VMEM((CHUNK, DEG_W), jnp.float32),
            pltpu.VMEM_SHARED((NP, DEG_W), jnp.float32),
            pltpu.SemaphoreType.DMA,
        ],
    )


def _dense_body(relu, s_ref, deg_ref, x_ref, wl_ref, wr_ref, b_ref, o_ref):
    sacc = s_ref[0] + s_ref[1]
    deg = deg_ref[0, :, :1] + deg_ref[1, :, :1]
    agg = sacc / jnp.maximum(deg, 1.0)
    r = lax.dot_general(agg, wl_ref[...], (((1,), (1,)), ((), ())),
                        preferred_element_type=jnp.float32,
                        precision=lax.Precision.HIGHEST)
    r = r + lax.dot_general(x_ref[...], wr_ref[...], (((1,), (1,)), ((), ())),
                            preferred_element_type=jnp.float32,
                            precision=lax.Precision.HIGHEST)
    r = r + b_ref[...]
    if relu:
        r = jnp.maximum(r, 0.0)
    o_ref[...] = r


def _make_dense(relu):
    return pl.pallas_call(
        functools.partial(_dense_body, relu),
        grid=(NP // BN,),
        in_specs=[
            pl.BlockSpec((NC, BN, D), lambda i: (0, i, 0)),
            pl.BlockSpec((NC, BN, DEG_W), lambda i: (0, i, 0)),
            pl.BlockSpec((BN, D), lambda i: (i, 0)),
            pl.BlockSpec((D, D), lambda i: (0, 0)),
            pl.BlockSpec((D, D), lambda i: (0, 0)),
            pl.BlockSpec((1, D), lambda i: (0, 0)),
        ],
        out_specs=pl.BlockSpec((BN, D), lambda i: (i, 0)),
        out_shape=jax.ShapeDtypeStruct((NP, D), jnp.float32),
    )


_agg = _make_sc_agg()
_deg = _make_sc_deg()
_dense_relu = _make_dense(True)
_dense = _make_dense(False)


def kernel(x, edge_index, W1_l, b1_l, W1_r, W2_l, b2_l, W2_r):
    x_p = jnp.zeros((NP, D), jnp.float32).at[:N_NODES].set(x)
    src = edge_index[0].astype(jnp.int32)
    dst = edge_index[1].astype(jnp.int32)
    n_edges = src.shape[0]
    ep = NW * NCH * CHUNK
    pad = ep - n_edges
    pad_src = jnp.arange(pad, dtype=jnp.int32) % N_NODES
    pad_dst = N_NODES + (jnp.arange(pad, dtype=jnp.int32) % (NP - N_NODES))
    src_p = jnp.concatenate([src, pad_src]).reshape(NW, NCH, CHUNK)
    dst_p = jnp.concatenate([dst, pad_dst]).reshape(NW, NCH, CHUNK)
    zrows = jnp.zeros((ROWS_PER_TILE, D), jnp.float32)
    zdeg = jnp.zeros((ROWS_PER_TILE, DEG_W), jnp.float32)
    ones = jnp.ones((CHUNK, DEG_W), jnp.float32)

    deg = _deg(dst_p, zdeg, ones)
    s1 = _agg(x_p, src_p, dst_p, zrows)
    h = _dense_relu(s1, deg, x_p, W1_l, W1_r, b1_l.reshape(1, D))
    s2 = _agg(h, src_p, dst_p, zrows)
    out = _dense(s2, deg, h, W2_l, W2_r, b2_l.reshape(1, D))
    return out[:N_NODES]

# --- scband reference (transcript-rebuilt; emitter-appended) ---
"""Pipeline reference for scband-graph-sagenet-3959959846912 (READ-ONLY COPY).

The authoritative reference and input builder live on the scoring server;
editing this copy changes nothing except your own understanding.
"""

import jax, jax.numpy as jnp
import numpy as np

N_NODES = 10000
D_IN = 128
D_HID = 128
D_OUT = 128
N_EDGES = 320000


def setup_inputs(seed: int = 0) -> dict:
    key = jax.random.key(seed)
    ks = jax.random.split(key, 8)
    x = jax.random.normal(ks[0], (N_NODES, D_IN), dtype=jnp.float32)
    edge_index = jax.random.randint(ks[1], (2, N_EDGES), 0, N_NODES, dtype=jnp.int64)
    s = 1.0 / np.sqrt(D_IN)
    W1_l = jax.random.uniform(ks[2], (D_HID, D_IN), minval=-s, maxval=s, dtype=jnp.float32)
    b1_l = jax.random.uniform(ks[3], (D_HID,), minval=-s, maxval=s, dtype=jnp.float32)
    W1_r = jax.random.uniform(ks[4], (D_HID, D_IN), minval=-s, maxval=s, dtype=jnp.float32)
    s2 = 1.0 / np.sqrt(D_HID)
    W2_l = jax.random.uniform(ks[5], (D_OUT, D_HID), minval=-s2, maxval=s2, dtype=jnp.float32)
    b2_l = jax.random.uniform(ks[6], (D_OUT,), minval=-s2, maxval=s2, dtype=jnp.float32)
    W2_r = jax.random.uniform(ks[7], (D_OUT, D_HID), minval=-s2, maxval=s2, dtype=jnp.float32)
    return {"x": x, "edge_index": edge_index, "W1_l": W1_l, "b1_l": b1_l, "W1_r": W1_r, "W2_l": W2_l, "b2_l": b2_l, "W2_r": W2_r}


def _sage_conv(x, edge_index, W_l, b_l, W_r):
    # PyG SAGEConv with default mean aggregation:
    #   out = lin_l(mean_j x_j) + lin_r(x_i)
    src = edge_index[0]
    dst = edge_index[1]
    msgs = jnp.take(x, src, axis=0)  # gather source features
    agg = jax.ops.segment_sum(msgs, dst, num_segments=N_NODES)  # scatter-add by dst
    deg = jax.ops.segment_sum(jnp.ones((msgs.shape[0],), dtype=x.dtype), dst, num_segments=N_NODES)
    deg = jnp.clip(deg, 1.0, None)
    agg = agg / deg[:, None]
    return agg @ W_l.T + b_l + x @ W_r.T


def reference(x, edge_index, W1_l, b1_l, W1_r, W2_l, b2_l, W2_r):
    h = _sage_conv(x, edge_index, W1_l, b1_l, W1_r)
    h = jax.nn.relu(h)
    out = _sage_conv(h, edge_index, W2_l, b2_l, W2_r)
    return out

if __name__ == "__main__":
    import jax
    _d = setup_inputs()
    print(jax.jit(kernel)(*tuple(_d.values())))

</pallas_src>

<mosaic_0001>
#map = affine_map<(d0, d1) -> (0, 0, 0)>
#map1 = affine_map<(d0, d1) -> (0, 0)>
module attributes {stable_mosaic.version = 14 : i64} {
  func.func @_sc_deg_body(%arg0: i32, %arg1: i32, %arg2: memref<32x80x128xi32, #tpu.memory_space<hbm>>, %arg3: memref<640x128xf32, #tpu.memory_space<hbm>>, %arg4: memref<128x128xf32, #tpu.memory_space<hbm>>, %arg5: memref<2x10240x128xf32, #tpu.memory_space<hbm>>, %arg6: memref<80x128xi32, #tpu.memory_space<vmem>>, %arg7: memref<128x128xf32, #tpu.memory_space<vmem>>, %arg8: memref<10240x128xf32, #tpu.memory_space<vmem_shared>>, %arg9: memref<!tpu.dma_semaphore, #tpu.memory_space<semaphore_mem>>) attributes {dimension_semantics = [#tpu.dimension_semantics<core_parallel>, #tpu.dimension_semantics<subcore_parallel>], iteration_bounds = array<i64: 2, 16>, scalar_prefetch = 0 : i64, scratch_operands = 4 : i64, tpu.core_type = #tpu.core_type<sc_vector_subcore>, window_params = [{transform_indices = #map}, {transform_indices = #map1}, {transform_indices = #map1}, {transform_indices = #map}]} {
    %mul3A = arith.constant 16 : i32
    %mul3A_0 = arith.muli %arg0, %mul3A : i32
    %add3A = arith.addi %mul3A_0, %arg1 : i32
    %mul3A_1 = arith.constant 640 : i32
    %mul3A_2 = arith.muli %arg1, %mul3A_1 : i32
    "tpu.region"() ({
      %run_scoped3A = tpu.sem_alloc : memref<!tpu.dma_semaphore, #tpu.memory_space<semaphore_mem>>
      %dma_start3A = arith.constant 0 : i32
      %dma_start3A_9 = tpu.memref_slice %arg8[%mul3A_2, %dma_start3A] : memref<10240x128xf32, #tpu.memory_space<vmem_shared>> -> memref<640x128xf32, #tpu.memory_space<vmem_shared>>
      tpu.enqueue_dma source(%arg3 : memref<640x128xf32, #tpu.memory_space<hbm>>) target(%dma_start3A_9 : memref<640x128xf32, #tpu.memory_space<vmem_shared>>) target_semaphore(%run_scoped3A : memref<!tpu.dma_semaphore, #tpu.memory_space<semaphore_mem>>)
      %dma_wait3A = arith.constant 0 : i32
      %dma_wait3A_10 = tpu.memref_slice %arg8[%mul3A_2, %dma_wait3A] : memref<10240x128xf32, #tpu.memory_space<vmem_shared>> -> memref<640x128xf32, #tpu.memory_space<vmem_shared>>
      tpu.wait_dma2 semaphore(%run_scoped3A : memref<!tpu.dma_semaphore, #tpu.memory_space<semaphore_mem>>) src(%arg3 : memref<640x128xf32, #tpu.memory_space<hbm>>) dst(%dma_wait3A_10 : memref<640x128xf32, #tpu.memory_space<vmem_shared>>)
      tpu.yield
    }) : () -> ()
    "tpu.region"() ({
      %run_scoped3A = tpu.sem_alloc : memref<!tpu.dma_semaphore, #tpu.memory_space<semaphore_mem>>
      tpu.enqueue_dma source(%arg4 : memref<128x128xf32, #tpu.memory_space<hbm>>) target(%arg7 : memref<128x128xf32, #tpu.memory_space<vmem>>) target_semaphore(%run_scoped3A : memref<!tpu.dma_semaphore, #tpu.memory_space<semaphore_mem>>)
      tpu.wait_dma2 semaphore(%run_scoped3A : memref<!tpu.dma_semaphore, #tpu.memory_space<semaphore_mem>>) src(%arg4 : memref<128x128xf32, #tpu.memory_space<hbm>>) dst(%arg7 : memref<128x128xf32, #tpu.memory_space<vmem>>)
      tpu.yield
    }) : () -> ()
    "tpu.region"() ({
      %run_scoped3A = tpu.sem_alloc : memref<!tpu.dma_semaphore, #tpu.memory_space<semaphore_mem>>
      %dma_start3A = arith.constant 0 : i32
      %dma_start3A_9 = arith.constant 0 : i32
      %dma_start3A_10 = tpu.memref_slice %arg2[%add3A, %dma_start3A, %dma_start3A_9] : memref<32x80x128xi32, #tpu.memory_space<hbm>> -> memref<1x80x128xi32, #tpu.memory_space<hbm>>
      %dma_start3A_11 = tpu.memref_squeeze %dma_start3A_10 : memref<1x80x128xi32, #tpu.memory_space<hbm>> -> memref<80x128xi32, #tpu.memory_space<hbm>>
      %dma_start3A_12 = arith.constant 0 : i32
      %dma_start3A_13 = arith.constant 0 : i32
      %dma_start3A_14 = tpu.memref_slice %arg2[%add3A, %dma_start3A_12, %dma_start3A_13] : memref<32x80x128xi32, #tpu.memory_space<hbm>> -> memref<1x80x128xi32, #tpu.memory_space<hbm>>
      %dma_start3A_15 = tpu.memref_squeeze %dma_start3A_14 : memref<1x80x128xi32, #tpu.memory_space<hbm>> -> memref<80x128xi32, #tpu.memory_space<hbm>>
      tpu.enqueue_dma source(%dma_start3A_15 : memref<80x128xi32, #tpu.memory_space<hbm>>) target(%arg6 : memref<80x128xi32, #tpu.memory_space<vmem>>) target_semaphore(%run_scoped3A : memref<!tpu.dma_semaphore, #tpu.memory_space<semaphore_mem>>)
      %dma_wait3A = arith.constant 0 : i32
      %dma_wait3A_16 = arith.constant 0 : i32
      %dma_wait3A_17 = tpu.memref_slice %arg2[%add3A, %dma_wait3A, %dma_wait3A_16] : memref<32x80x128xi32, #tpu.memory_space<hbm>> -> memref<1x80x128xi32, #tpu.memory_space<hbm>>
      %dma_wait3A_18 = tpu.memref_squeeze %dma_wait3A_17 : memref<1x80x128xi32, #tpu.memory_space<hbm>> -> memref<80x128xi32, #tpu.memory_space<hbm>>
      %dma_wait3A_19 = arith.constant 0 : i32
      %dma_wait3A_20 = arith.constant 0 : i32
      %dma_wait3A_21 = tpu.memref_slice %arg2[%add3A, %dma_wait3A_19, %dma_wait3A_20] : memref<32x80x128xi32, #tpu.memory_space<hbm>> -> memref<1x80x128xi32, #tpu.memory_space<hbm>>
      %dma_wait3A_22 = tpu.memref_squeeze %dma_wait3A_21 : memref<1x80x128xi32, #tpu.memory_space<hbm>> -> memref<80x128xi32, #tpu.memory_space<hbm>>
      tpu.wait_dma2 semaphore(%run_scoped3A : memref<!tpu.dma_semaphore, #tpu.memory_space<semaphore_mem>>) src(%dma_wait3A_22 : memref<80x128xi32, #tpu.memory_space<hbm>>) dst(%arg6 : memref<80x128xi32, #tpu.memory_space<vmem>>)
      tpu.yield
    }) : () -> ()
    %barrier3A = arith.constant 0 : index
    tpu.barrier barrier_id(%barrier3A)
    %scan3A = arith.constant 0 : i32
    %scan3A_3 = arith.constant 0 : i32
    %scan3A_4 = arith.constant 80 : i32
    %scan3A_5 = arith.addi %scan3A_3, %scan3A_4 : i32
    %scan3A_6 = arith.constant 1 : i32
    scf.for %scan3A_9 = %scan3A_3 to %scan3A_5 step %scan3A_6  : i32 {
      "tpu.region"() ({
        %run_scoped3A = tpu.sem_alloc : memref<!tpu.dma_semaphore, #tpu.memory_space<semaphore_mem>>
        %dma_start3A = arith.constant 0 : i32
        %dma_start3A_10 = tpu.memref_slice %arg6[%scan3A_9, %dma_start3A] : memref<80x128xi32, #tpu.memory_space<vmem>> -> memref<1x128xi32, #tpu.memory_space<vmem>>
        %dma_start3A_11 = tpu.memref_squeeze %dma_start3A_10 : memref<1x128xi32, #tpu.memory_space<vmem>> -> memref<128xi32, #tpu.memory_space<vmem>>
        %dma_start3A_12 = arith.constant 0 : i32
        %dma_start3A_13 = arith.constant 0 : i32
        %dma_start3A_14 = tpu.memref_slice %arg8[%dma_start3A_12, %dma_start3A_13] : memref<10240x128xf32, #tpu.memory_space<vmem_shared>> -> memref<10240x128xf32, #tpu.memory_space<vmem_shared>>
        tpu.enqueue_indirect_dma source(%arg7 : memref<128x128xf32, #tpu.memory_space<vmem>>) target(%dma_start3A_14 : memref<10240x128xf32, #tpu.memory_space<vmem_shared>>) offsets(%dma_start3A_11 : memref<128xi32, #tpu.memory_space<vmem>>) semaphore(%run_scoped3A : memref<!tpu.dma_semaphore, #tpu.memory_space<semaphore_mem>>) {add = true}
        %dma_wait3A = arith.constant 0 : i32
        %dma_wait3A_15 = tpu.memref_slice %arg6[%scan3A_9, %dma_wait3A] : memref<80x128xi32, #tpu.memory_space<vmem>> -> memref<1x128xi32, #tpu.memory_space<vmem>>
        %dma_wait3A_16 = tpu.memref_squeeze %dma_wait3A_15 : memref<1x128xi32, #tpu.memory_space<vmem>> -> memref<128xi32, #tpu.memory_space<vmem>>
        %dma_wait3A_17 = arith.constant 0 : i32
        %dma_wait3A_18 = arith.constant 0 : i32
        %dma_wait3A_19 = tpu.memref_slice %arg8[%dma_wait3A_17, %dma_wait3A_18] : memref<10240x128xf32, #tpu.memory_space<vmem_shared>> -> memref<10240x128xf32, #tpu.memory_space<vmem_shared>>
        tpu.wait_indirect_dma semaphore(%run_scoped3A : memref<!tpu.dma_semaphore, #tpu.memory_space<semaphore_mem>>) src(%arg7 : memref<128x128xf32, #tpu.memory_space<vmem>>) dst(%dma_wait3A_19 : memref<10240x128xf32, #tpu.memory_space<vmem_shared>>)
        tpu.yield
      }) : () -> ()
    }
    %scan3A_7 = arith.constant 80 : i32
    %barrier3A_8 = arith.constant 0 : index
    tpu.barrier barrier_id(%barrier3A_8)
    "tpu.region"() ({
      %run_scoped3A = tpu.sem_alloc : memref<!tpu.dma_semaphore, #tpu.memory_space<semaphore_mem>>
      %dma_start3A = arith.constant 0 : i32
      %dma_start3A_9 = tpu.memref_slice %arg5[%arg0, %mul3A_2, %dma_start3A] : memref<2x10240x128xf32, #tpu.memory_space<hbm>> -> memref<1x640x128xf32, #tpu.memory_space<hbm>>
      %dma_start3A_10 = tpu.memref_squeeze %dma_start3A_9 : memref<1x640x128xf32, #tpu.memory_space<hbm>> -> memref<640x128xf32, #tpu.memory_space<hbm>>
      %dma_start3A_11 = arith.constant 0 : i32
      %dma_start3A_12 = tpu.memref_slice %arg8[%mul3A_2, %dma_start3A_11] : memref<10240x128xf32, #tpu.memory_space<vmem_shared>> -> memref<640x128xf32, #tpu.memory_space<vmem_shared>>
      tpu.enqueue_dma source(%dma_start3A_12 : memref<640x128xf32, #tpu.memory_space<vmem_shared>>) target(%dma_start3A_10 : memref<640x128xf32, #tpu.memory_space<hbm>>) target_semaphore(%run_scoped3A : memref<!tpu.dma_semaphore, #tpu.memory_space<semaphore_mem>>)
      %dma_wait3A = arith.constant 0 : i32
      %dma_wait3A_13 = tpu.memref_slice %arg5[%arg0, %mul3A_2, %dma_wait3A] : memref<2x10240x128xf32, #tpu.memory_space<hbm>> -> memref<1x640x128xf32, #tpu.memory_space<hbm>>
      %dma_wait3A_14 = tpu.memref_squeeze %dma_wait3A_13 : memref<1x640x128xf32, #tpu.memory_space<hbm>> -> memref<640x128xf32, #tpu.memory_space<hbm>>
      %dma_wait3A_15 = arith.constant 0 : i32
      %dma_wait3A_16 = tpu.memref_slice %arg8[%mul3A_2, %dma_wait3A_15] : memref<10240x128xf32, #tpu.memory_space<vmem_shared>> -> memref<640x128xf32, #tpu.memory_space<vmem_shared>>
      tpu.wait_dma2 semaphore(%run_scoped3A : memref<!tpu.dma_semaphore, #tpu.memory_space<semaphore_mem>>) src(%dma_wait3A_16 : memref<640x128xf32, #tpu.memory_space<vmem_shared>>) dst(%dma_wait3A_14 : memref<640x128xf32, #tpu.memory_space<hbm>>)
      tpu.yield
    }) : () -> ()
    return
  }
}

#map = affine_map<(d0, d1) -> (0, 0)>
#map1 = affine_map<(d0, d1) -> (0, 0, 0)>
module attributes {stable_mosaic.version = 14 : i64} {
  func.func @_sc_agg_body(%arg0: i32, %arg1: i32, %arg2: memref<10240x128xf32, #tpu.memory_space<hbm>>, %arg3: memref<32x80x128xi32, #tpu.memory_space<hbm>>, %arg4: memref<32x80x128xi32, #tpu.memory_space<hbm>>, %arg5: memref<640x128xf32, #tpu.memory_space<hbm>>, %arg6: memref<2x10240x128xf32, #tpu.memory_space<hbm>>, %arg7: memref<80x128xi32, #tpu.memory_space<vmem>>, %arg8: memref<80x128xi32, #tpu.memory_space<vmem>>, %arg9: memref<128x128xf32, #tpu.memory_space<vmem>>, %arg10: memref<10240x128xf32, #tpu.memory_space<vmem_shared>>, %arg11: memref<!tpu.dma_semaphore, #tpu.memory_space<semaphore_mem>>) attributes {dimension_semantics = [#tpu.dimension_semantics<core_parallel>, #tpu.dimension_semantics<subcore_parallel>], iteration_bounds = array<i64: 2, 16>, scalar_prefetch = 0 : i64, scratch_operands = 5 : i64, tpu.core_type = #tpu.core_type<sc_vector_subcore>, window_params = [{transform_indices = #map}, {transform_indices = #map1}, {transform_indices = #map1}, {transform_indices = #map}, {transform_indices = #map1}]} {
    %mul3A = arith.constant 16 : i32
    %mul3A_0 = arith.muli %arg0, %mul3A : i32
    %add3A = arith.addi %mul3A_0, %arg1 : i32
    %mul3A_1 = arith.constant 640 : i32
    %mul3A_2 = arith.muli %arg1, %mul3A_1 : i32
    "tpu.region"() ({
      %run_scoped3A = tpu.sem_alloc : memref<!tpu.dma_semaphore, #tpu.memory_space<semaphore_mem>>
      %dma_start3A = arith.constant 0 : i32
      %dma_start3A_9 = tpu.memref_slice %arg10[%mul3A_2, %dma_start3A] : memref<10240x128xf32, #tpu.memory_space<vmem_shared>> -> memref<640x128xf32, #tpu.memory_space<vmem_shared>>
      tpu.enqueue_dma source(%arg5 : memref<640x128xf32, #tpu.memory_space<hbm>>) target(%dma_start3A_9 : memref<640x128xf32, #tpu.memory_space<vmem_shared>>) target_semaphore(%run_scoped3A : memref<!tpu.dma_semaphore, #tpu.memory_space<semaphore_mem>>)
      %dma_wait3A = arith.constant 0 : i32
      %dma_wait3A_10 = tpu.memref_slice %arg10[%mul3A_2, %dma_wait3A] : memref<10240x128xf32, #tpu.memory_space<vmem_shared>> -> memref<640x128xf32, #tpu.memory_space<vmem_shared>>
      tpu.wait_dma2 semaphore(%run_scoped3A : memref<!tpu.dma_semaphore, #tpu.memory_space<semaphore_mem>>) src(%arg5 : memref<640x128xf32, #tpu.memory_space<hbm>>) dst(%dma_wait3A_10 : memref<640x128xf32, #tpu.memory_space<vmem_shared>>)
      tpu.yield
    }) : () -> ()
    "tpu.region"() ({
      %run_scoped3A = tpu.sem_alloc : memref<!tpu.dma_semaphore, #tpu.memory_space<semaphore_mem>>
      %dma_start3A = arith.constant 0 : i32
      %dma_start3A_9 = arith.constant 0 : i32
      %dma_start3A_10 = tpu.memref_slice %arg3[%add3A, %dma_start3A, %dma_start3A_9] : memref<32x80x128xi32, #tpu.memory_space<hbm>> -> memref<1x80x128xi32, #tpu.memory_space<hbm>>
      %dma_start3A_11 = tpu.memref_squeeze %dma_start3A_10 : memref<1x80x128xi32, #tpu.memory_space<hbm>> -> memref<80x128xi32, #tpu.memory_space<hbm>>
      %dma_start3A_12 = arith.constant 0 : i32
      %dma_start3A_13 = arith.constant 0 : i32
      %dma_start3A_14 = tpu.memref_slice %arg3[%add3A, %dma_start3A_12, %dma_start3A_13] : memref<32x80x128xi32, #tpu.memory_space<hbm>> -> memref<1x80x128xi32, #tpu.memory_space<hbm>>
      %dma_start3A_15 = tpu.memref_squeeze %dma_start3A_14 : memref<1x80x128xi32, #tpu.memory_space<hbm>> -> memref<80x128xi32, #tpu.memory_space<hbm>>
      tpu.enqueue_dma source(%dma_start3A_15 : memref<80x128xi32, #tpu.memory_space<hbm>>) target(%arg7 : memref<80x128xi32, #tpu.memory_space<vmem>>) target_semaphore(%run_scoped3A : memref<!tpu.dma_semaphore, #tpu.memory_space<semaphore_mem>>)
      %dma_wait3A = arith.constant 0 : i32
      %dma_wait3A_16 = arith.constant 0 : i32
      %dma_wait3A_17 = tpu.memref_slice %arg3[%add3A, %dma_wait3A, %dma_wait3A_16] : memref<32x80x128xi32, #tpu.memory_space<hbm>> -> memref<1x80x128xi32, #tpu.memory_space<hbm>>
      %dma_wait3A_18 = tpu.memref_squeeze %dma_wait3A_17 : memref<1x80x128xi32, #tpu.memory_space<hbm>> -> memref<80x128xi32, #tpu.memory_space<hbm>>
      %dma_wait3A_19 = arith.constant 0 : i32
      %dma_wait3A_20 = arith.constant 0 : i32
      %dma_wait3A_21 = tpu.memref_slice %arg3[%add3A, %dma_wait3A_19, %dma_wait3A_20] : memref<32x80x128xi32, #tpu.memory_space<hbm>> -> memref<1x80x128xi32, #tpu.memory_space<hbm>>
      %dma_wait3A_22 = tpu.memref_squeeze %dma_wait3A_21 : memref<1x80x128xi32, #tpu.memory_space<hbm>> -> memref<80x128xi32, #tpu.memory_space<hbm>>
      tpu.wait_dma2 semaphore(%run_scoped3A : memref<!tpu.dma_semaphore, #tpu.memory_space<semaphore_mem>>) src(%dma_wait3A_22 : memref<80x128xi32, #tpu.memory_space<hbm>>) dst(%arg7 : memref<80x128xi32, #tpu.memory_space<vmem>>)
      tpu.yield
    }) : () -> ()
    "tpu.region"() ({
      %run_scoped3A = tpu.sem_alloc : memref<!tpu.dma_semaphore, #tpu.memory_space<semaphore_mem>>
      %dma_start3A = arith.constant 0 : i32
      %dma_start3A_9 = arith.constant 0 : i32
      %dma_start3A_10 = tpu.memref_slice %arg4[%add3A, %dma_start3A, %dma_start3A_9] : memref<32x80x128xi32, #tpu.memory_space<hbm>> -> memref<1x80x128xi32, #tpu.memory_space<hbm>>
      %dma_start3A_11 = tpu.memref_squeeze %dma_start3A_10 : memref<1x80x128xi32, #tpu.memory_space<hbm>> -> memref<80x128xi32, #tpu.memory_space<hbm>>
      %dma_start3A_12 = arith.constant 0 : i32
      %dma_start3A_13 = arith.constant 0 : i32
      %dma_start3A_14 = tpu.memref_slice %arg4[%add3A, %dma_start3A_12, %dma_start3A_13] : memref<32x80x128xi32, #tpu.memory_space<hbm>> -> memref<1x80x128xi32, #tpu.memory_space<hbm>>
      %dma_start3A_15 = tpu.memref_squeeze %dma_start3A_14 : memref<1x80x128xi32, #tpu.memory_space<hbm>> -> memref<80x128xi32, #tpu.memory_space<hbm>>
      tpu.enqueue_dma source(%dma_start3A_15 : memref<80x128xi32, #tpu.memory_space<hbm>>) target(%arg8 : memref<80x128xi32, #tpu.memory_space<vmem>>) target_semaphore(%run_scoped3A : memref<!tpu.dma_semaphore, #tpu.memory_space<semaphore_mem>>)
      %dma_wait3A = arith.constant 0 : i32
      %dma_wait3A_16 = arith.constant 0 : i32
      %dma_wait3A_17 = tpu.memref_slice %arg4[%add3A, %dma_wait3A, %dma_wait3A_16] : memref<32x80x128xi32, #tpu.memory_space<hbm>> -> memref<1x80x128xi32, #tpu.memory_space<hbm>>
      %dma_wait3A_18 = tpu.memref_squeeze %dma_wait3A_17 : memref<1x80x128xi32, #tpu.memory_space<hbm>> -> memref<80x128xi32, #tpu.memory_space<hbm>>
      %dma_wait3A_19 = arith.constant 0 : i32
      %dma_wait3A_20 = arith.constant 0 : i32
      %dma_wait3A_21 = tpu.memref_slice %arg4[%add3A, %dma_wait3A_19, %dma_wait3A_20] : memref<32x80x128xi32, #tpu.memory_space<hbm>> -> memref<1x80x128xi32, #tpu.memory_space<hbm>>
      %dma_wait3A_22 = tpu.memref_squeeze %dma_wait3A_21 : memref<1x80x128xi32, #tpu.memory_space<hbm>> -> memref<80x128xi32, #tpu.memory_space<hbm>>
      tpu.wait_dma2 semaphore(%run_scoped3A : memref<!tpu.dma_semaphore, #tpu.memory_space<semaphore_mem>>) src(%dma_wait3A_22 : memref<80x128xi32, #tpu.memory_space<hbm>>) dst(%arg8 : memref<80x128xi32, #tpu.memory_space<vmem>>)
      tpu.yield
    }) : () -> ()
    %barrier3A = arith.constant 0 : index
    tpu.barrier barrier_id(%barrier3A)
    %scan3A = arith.constant 0 : i32
    %scan3A_3 = arith.constant 0 : i32
    %scan3A_4 = arith.constant 80 : i32
    %scan3A_5 = arith.addi %scan3A_3, %scan3A_4 : i32
    %scan3A_6 = arith.constant 1 : i32
    scf.for %scan3A_9 = %scan3A_3 to %scan3A_5 step %scan3A_6  : i32 {
      %dma_start3A = arith.constant 0 : i32
      %dma_start3A_10 = tpu.memref_slice %arg7[%scan3A_9, %dma_start3A] : memref<80x128xi32, #tpu.memory_space<vmem>> -> memref<1x128xi32, #tpu.memory_space<vmem>>
      %dma_start3A_11 = tpu.memref_squeeze %dma_start3A_10 : memref<1x128xi32, #tpu.memory_space<vmem>> -> memref<128xi32, #tpu.memory_space<vmem>>
      %dma_start3A_12 = arith.constant 0 : i32
      %dma_start3A_13 = arith.constant 0 : i32
      %dma_start3A_14 = tpu.memref_slice %arg2[%dma_start3A_12, %dma_start3A_13] : memref<10240x128xf32, #tpu.memory_space<hbm>> -> memref<10240x128xf32, #tpu.memory_space<hbm>>
      tpu.enqueue_indirect_dma source(%dma_start3A_14 : memref<10240x128xf32, #tpu.memory_space<hbm>>) target(%arg9 : memref<128x128xf32, #tpu.memory_space<vmem>>) offsets(%dma_start3A_11 : memref<128xi32, #tpu.memory_space<vmem>>) semaphore(%arg11 : memref<!tpu.dma_semaphore, #tpu.memory_space<semaphore_mem>>)
      %dma_wait3A = arith.constant 0 : i32
      %dma_wait3A_15 = tpu.memref_slice %arg7[%scan3A_9, %dma_wait3A] : memref<80x128xi32, #tpu.memory_space<vmem>> -> memref<1x128xi32, #tpu.memory_space<vmem>>
      %dma_wait3A_16 = tpu.memref_squeeze %dma_wait3A_15 : memref<1x128xi32, #tpu.memory_space<vmem>> -> memref<128xi32, #tpu.memory_space<vmem>>
      %dma_wait3A_17 = arith.constant 0 : i32
      %dma_wait3A_18 = arith.constant 0 : i32
      %dma_wait3A_19 = tpu.memref_slice %arg2[%dma_wait3A_17, %dma_wait3A_18] : memref<10240x128xf32, #tpu.memory_space<hbm>> -> memref<10240x128xf32, #tpu.memory_space<hbm>>
      tpu.wait_indirect_dma semaphore(%arg11 : memref<!tpu.dma_semaphore, #tpu.memory_space<semaphore_mem>>) src(%dma_wait3A_19 : memref<10240x128xf32, #tpu.memory_space<hbm>>) dst(%arg9 : memref<128x128xf32, #tpu.memory_space<vmem>>)
      "tpu.region"() ({
        %run_scoped3A = tpu.sem_alloc : memref<!tpu.dma_semaphore, #tpu.memory_space<semaphore_mem>>
        %dma_start3A_20 = arith.constant 0 : i32
        %dma_start3A_21 = tpu.memref_slice %arg8[%scan3A_9, %dma_start3A_20] : memref<80x128xi32, #tpu.memory_space<vmem>> -> memref<1x128xi32, #tpu.memory_space<vmem>>
        %dma_start3A_22 = tpu.memref_squeeze %dma_start3A_21 : memref<1x128xi32, #tpu.memory_space<vmem>> -> memref<128xi32, #tpu.memory_space<vmem>>
        %dma_start3A_23 = arith.constant 0 : i32
        %dma_start3A_24 = arith.constant 0 : i32
        %dma_start3A_25 = tpu.memref_slice %arg10[%dma_start3A_23, %dma_start3A_24] : memref<10240x128xf32, #tpu.memory_space<vmem_shared>> -> memref<10240x128xf32, #tpu.memory_space<vmem_shared>>
        tpu.enqueue_indirect_dma source(%arg9 : memref<128x128xf32, #tpu.memory_space<vmem>>) target(%dma_start3A_25 : memref<10240x128xf32, #tpu.memory_space<vmem_shared>>) offsets(%dma_start3A_22 : memref<128xi32, #tpu.memory_space<vmem>>) semaphore(%run_scoped3A : memref<!tpu.dma_semaphore, #tpu.memory_space<semaphore_mem>>) {add = true}
        %dma_wait3A_26 = arith.constant 0 : i32
        %dma_wait3A_27 = tpu.memref_slice %arg8[%scan3A_9, %dma_wait3A_26] : memref<80x128xi32, #tpu.memory_space<vmem>> -> memref<1x128xi32, #tpu.memory_space<vmem>>
        %dma_wait3A_28 = tpu.memref_squeeze %dma_wait3A_27 : memref<1x128xi32, #tpu.memory_space<vmem>> -> memref<128xi32, #tpu.memory_space<vmem>>
        %dma_wait3A_29 = arith.constant 0 : i32
        %dma_wait3A_30 = arith.constant 0 : i32
        %dma_wait3A_31 = tpu.memref_slice %arg10[%dma_wait3A_29, %dma_wait3A_30] : memref<10240x128xf32, #tpu.memory_space<vmem_shared>> -> memref<10240x128xf32, #tpu.memory_space<vmem_shared>>
        tpu.wait_indirect_dma semaphore(%run_scoped3A : memref<!tpu.dma_semaphore, #tpu.memory_space<semaphore_mem>>) src(%arg9 : memref<128x128xf32, #tpu.memory_space<vmem>>) dst(%dma_wait3A_31 : memref<10240x128xf32, #tpu.memory_space<vmem_shared>>)
        tpu.yield
      }) : () -> ()
    }
    %scan3A_7 = arith.constant 80 : i32
    %barrier3A_8 = arith.constant 0 : index
    tpu.barrier barrier_id(%barrier3A_8)
    "tpu.region"() ({
      %run_scoped3A = tpu.sem_alloc : memref<!tpu.dma_semaphore, #tpu.memory_space<semaphore_mem>>
      %dma_start3A = arith.constant 0 : i32
      %dma_start3A_9 = tpu.memref_slice %arg6[%arg0, %mul3A_2, %dma_start3A] : memref<2x10240x128xf32, #tpu.memory_space<hbm>> -> memref<1x640x128xf32, #tpu.memory_space<hbm>>
      %dma_start3A_10 = tpu.memref_squeeze %dma_start3A_9 : memref<1x640x128xf32, #tpu.memory_space<hbm>> -> memref<640x128xf32, #tpu.memory_space<hbm>>
      %dma_start3A_11 = arith.constant 0 : i32
      %dma_start3A_12 = tpu.memref_slice %arg10[%mul3A_2, %dma_start3A_11] : memref<10240x128xf32, #tpu.memory_space<vmem_shared>> -> memref<640x128xf32, #tpu.memory_space<vmem_shared>>
      tpu.enqueue_dma source(%dma_start3A_12 : memref<640x128xf32, #tpu.memory_space<vmem_shared>>) target(%dma_start3A_10 : memref<640x128xf32, #tpu.memory_space<hbm>>) target_semaphore(%run_scoped3A : memref<!tpu.dma_semaphore, #tpu.memory_space<semaphore_mem>>)
      %dma_wait3A = arith.constant 0 : i32
      %dma_wait3A_13 = tpu.memref_slice %arg6[%arg0, %mul3A_2, %dma_wait3A] : memref<2x10240x128xf32, #tpu.memory_space<hbm>> -> memref<1x640x128xf32, #tpu.memory_space<hbm>>
      %dma_wait3A_14 = tpu.memref_squeeze %dma_wait3A_13 : memref<1x640x128xf32, #tpu.memory_space<hbm>> -> memref<640x128xf32, #tpu.memory_space<hbm>>
      %dma_wait3A_15 = arith.constant 0 : i32
      %dma_wait3A_16 = tpu.memref_slice %arg10[%mul3A_2, %dma_wait3A_15] : memref<10240x128xf32, #tpu.memory_space<vmem_shared>> -> memref<640x128xf32, #tpu.memory_space<vmem_shared>>
      tpu.wait_dma2 semaphore(%run_scoped3A : memref<!tpu.dma_semaphore, #tpu.memory_space<semaphore_mem>>) src(%dma_wait3A_16 : memref<640x128xf32, #tpu.memory_space<vmem_shared>>) dst(%dma_wait3A_14 : memref<640x128xf32, #tpu.memory_space<hbm>>)
      tpu.yield
    }) : () -> ()
    return
  }
}

#map = affine_map<(d0, d1) -> (0, 0)>
#map1 = affine_map<(d0, d1) -> (0, 0, 0)>
module attributes {stable_mosaic.version = 14 : i64} {
  func.func @_sc_agg_body(%arg0: i32, %arg1: i32, %arg2: memref<10240x128xf32, #tpu.memory_space<hbm>>, %arg3: memref<32x80x128xi32, #tpu.memory_space<hbm>>, %arg4: memref<32x80x128xi32, #tpu.memory_space<hbm>>, %arg5: memref<640x128xf32, #tpu.memory_space<hbm>>, %arg6: memref<2x10240x128xf32, #tpu.memory_space<hbm>>, %arg7: memref<80x128xi32, #tpu.memory_space<vmem>>, %arg8: memref<80x128xi32, #tpu.memory_space<vmem>>, %arg9: memref<128x128xf32, #tpu.memory_space<vmem>>, %arg10: memref<10240x128xf32, #tpu.memory_space<vmem_shared>>, %arg11: memref<!tpu.dma_semaphore, #tpu.memory_space<semaphore_mem>>) attributes {dimension_semantics = [#tpu.dimension_semantics<core_parallel>, #tpu.dimension_semantics<subcore_parallel>], iteration_bounds = array<i64: 2, 16>, scalar_prefetch = 0 : i64, scratch_operands = 5 : i64, tpu.core_type = #tpu.core_type<sc_vector_subcore>, window_params = [{transform_indices = #map}, {transform_indices = #map1}, {transform_indices = #map1}, {transform_indices = #map}, {transform_indices = #map1}]} {
    %mul3A = arith.constant 16 : i32
    %mul3A_0 = arith.muli %arg0, %mul3A : i32
    %add3A = arith.addi %mul3A_0, %arg1 : i32
    %mul3A_1 = arith.constant 640 : i32
    %mul3A_2 = arith.muli %arg1, %mul3A_1 : i32
    "tpu.region"() ({
      %run_scoped3A = tpu.sem_alloc : memref<!tpu.dma_semaphore, #tpu.memory_space<semaphore_mem>>
      %dma_start3A = arith.constant 0 : i32
      %dma_start3A_9 = tpu.memref_slice %arg10[%mul3A_2, %dma_start3A] : memref<10240x128xf32, #tpu.memory_space<vmem_shared>> -> memref<640x128xf32, #tpu.memory_space<vmem_shared>>
      tpu.enqueue_dma source(%arg5 : memref<640x128xf32, #tpu.memory_space<hbm>>) target(%dma_start3A_9 : memref<640x128xf32, #tpu.memory_space<vmem_shared>>) target_semaphore(%run_scoped3A : memref<!tpu.dma_semaphore, #tpu.memory_space<semaphore_mem>>)
      %dma_wait3A = arith.constant 0 : i32
      %dma_wait3A_10 = tpu.memref_slice %arg10[%mul3A_2, %dma_wait3A] : memref<10240x128xf32, #tpu.memory_space<vmem_shared>> -> memref<640x128xf32, #tpu.memory_space<vmem_shared>>
      tpu.wait_dma2 semaphore(%run_scoped3A : memref<!tpu.dma_semaphore, #tpu.memory_space<semaphore_mem>>) src(%arg5 : memref<640x128xf32, #tpu.memory_space<hbm>>) dst(%dma_wait3A_10 : memref<640x128xf32, #tpu.memory_space<vmem_shared>>)
      tpu.yield
    }) : () -> ()
    "tpu.region"() ({
      %run_scoped3A = tpu.sem_alloc : memref<!tpu.dma_semaphore, #tpu.memory_space<semaphore_mem>>
      %dma_start3A = arith.constant 0 : i32
      %dma_start3A_9 = arith.constant 0 : i32
      %dma_start3A_10 = tpu.memref_slice %arg3[%add3A, %dma_start3A, %dma_start3A_9] : memref<32x80x128xi32, #tpu.memory_space<hbm>> -> memref<1x80x128xi32, #tpu.memory_space<hbm>>
      %dma_start3A_11 = tpu.memref_squeeze %dma_start3A_10 : memref<1x80x128xi32, #tpu.memory_space<hbm>> -> memref<80x128xi32, #tpu.memory_space<hbm>>
      %dma_start3A_12 = arith.constant 0 : i32
      %dma_start3A_13 = arith.constant 0 : i32
      %dma_start3A_14 = tpu.memref_slice %arg3[%add3A, %dma_start3A_12, %dma_start3A_13] : memref<32x80x128xi32, #tpu.memory_space<hbm>> -> memref<1x80x128xi32, #tpu.memory_space<hbm>>
      %dma_start3A_15 = tpu.memref_squeeze %dma_start3A_14 : memref<1x80x128xi32, #tpu.memory_space<hbm>> -> memref<80x128xi32, #tpu.memory_space<hbm>>
      tpu.enqueue_dma source(%dma_start3A_15 : memref<80x128xi32, #tpu.memory_space<hbm>>) target(%arg7 : memref<80x128xi32, #tpu.memory_space<vmem>>) target_semaphore(%run_scoped3A : memref<!tpu.dma_semaphore, #tpu.memory_space<semaphore_mem>>)
      %dma_wait3A = arith.constant 0 : i32
      %dma_wait3A_16 = arith.constant 0 : i32
      %dma_wait3A_17 = tpu.memref_slice %arg3[%add3A, %dma_wait3A, %dma_wait3A_16] : memref<32x80x128xi32, #tpu.memory_space<hbm>> -> memref<1x80x128xi32, #tpu.memory_space<hbm>>
      %dma_wait3A_18 = tpu.memref_squeeze %dma_wait3A_17 : memref<1x80x128xi32, #tpu.memory_space<hbm>> -> memref<80x128xi32, #tpu.memory_space<hbm>>
      %dma_wait3A_19 = arith.constant 0 : i32
      %dma_wait3A_20 = arith.constant 0 : i32
      %dma_wait3A_21 = tpu.memref_slice %arg3[%add3A, %dma_wait3A_19, %dma_wait3A_20] : memref<32x80x128xi32, #tpu.memory_space<hbm>> -> memref<1x80x128xi32, #tpu.memory_space<hbm>>
      %dma_wait3A_22 = tpu.memref_squeeze %dma_wait3A_21 : memref<1x80x128xi32, #tpu.memory_space<hbm>> -> memref<80x128xi32, #tpu.memory_space<hbm>>
      tpu.wait_dma2 semaphore(%run_scoped3A : memref<!tpu.dma_semaphore, #tpu.memory_space<semaphore_mem>>) src(%dma_wait3A_22 : memref<80x128xi32, #tpu.memory_space<hbm>>) dst(%arg7 : memref<80x128xi32, #tpu.memory_space<vmem>>)
      tpu.yield
    }) : () -> ()
    "tpu.region"() ({
      %run_scoped3A = tpu.sem_alloc : memref<!tpu.dma_semaphore, #tpu.memory_space<semaphore_mem>>
      %dma_start3A = arith.constant 0 : i32
      %dma_start3A_9 = arith.constant 0 : i32
      %dma_start3A_10 = tpu.memref_slice %arg4[%add3A, %dma_start3A, %dma_start3A_9] : memref<32x80x128xi32, #tpu.memory_space<hbm>> -> memref<1x80x128xi32, #tpu.memory_space<hbm>>
      %dma_start3A_11 = tpu.memref_squeeze %dma_start3A_10 : memref<1x80x128xi32, #tpu.memory_space<hbm>> -> memref<80x128xi32, #tpu.memory_space<hbm>>
      %dma_start3A_12 = arith.constant 0 : i32
      %dma_start3A_13 = arith.constant 0 : i32
      %dma_start3A_14 = tpu.memref_slice %arg4[%add3A, %dma_start3A_12, %dma_start3A_13] : memref<32x80x128xi32, #tpu.memory_space<hbm>> -> memref<1x80x128xi32, #tpu.memory_space<hbm>>
      %dma_start3A_15 = tpu.memref_squeeze %dma_start3A_14 : memref<1x80x128xi32, #tpu.memory_space<hbm>> -> memref<80x128xi32, #tpu.memory_space<hbm>>
      tpu.enqueue_dma source(%dma_start3A_15 : memref<80x128xi32, #tpu.memory_space<hbm>>) target(%arg8 : memref<80x128xi32, #tpu.memory_space<vmem>>) target_semaphore(%run_scoped3A : memref<!tpu.dma_semaphore, #tpu.memory_space<semaphore_mem>>)
      %dma_wait3A = arith.constant 0 : i32
      %dma_wait3A_16 = arith.constant 0 : i32
      %dma_wait3A_17 = tpu.memref_slice %arg4[%add3A, %dma_wait3A, %dma_wait3A_16] : memref<32x80x128xi32, #tpu.memory_space<hbm>> -> memref<1x80x128xi32, #tpu.memory_space<hbm>>
      %dma_wait3A_18 = tpu.memref_squeeze %dma_wait3A_17 : memref<1x80x128xi32, #tpu.memory_space<hbm>> -> memref<80x128xi32, #tpu.memory_space<hbm>>
      %dma_wait3A_19 = arith.constant 0 : i32
      %dma_wait3A_20 = arith.constant 0 : i32
      %dma_wait3A_21 = tpu.memref_slice %arg4[%add3A, %dma_wait3A_19, %dma_wait3A_20] : memref<32x80x128xi32, #tpu.memory_space<hbm>> -> memref<1x80x128xi32, #tpu.memory_space<hbm>>
      %dma_wait3A_22 = tpu.memref_squeeze %dma_wait3A_21 : memref<1x80x128xi32, #tpu.memory_space<hbm>> -> memref<80x128xi32, #tpu.memory_space<hbm>>
      tpu.wait_dma2 semaphore(%run_scoped3A : memref<!tpu.dma_semaphore, #tpu.memory_space<semaphore_mem>>) src(%dma_wait3A_22 : memref<80x128xi32, #tpu.memory_space<hbm>>) dst(%arg8 : memref<80x128xi32, #tpu.memory_space<vmem>>)
      tpu.yield
    }) : () -> ()
    %barrier3A = arith.constant 0 : index
    tpu.barrier barrier_id(%barrier3A)
    %scan3A = arith.constant 0 : i32
    %scan3A_3 = arith.constant 0 : i32
    %scan3A_4 = arith.constant 80 : i32
    %scan3A_5 = arith.addi %scan3A_3, %scan3A_4 : i32
    %scan3A_6 = arith.constant 1 : i32
    scf.for %scan3A_9 = %scan3A_3 to %scan3A_5 step %scan3A_6  : i32 {
      %dma_start3A = arith.constant 0 : i32
      %dma_start3A_10 = tpu.memref_slice %arg7[%scan3A_9, %dma_start3A] : memref<80x128xi32, #tpu.memory_space<vmem>> -> memref<1x128xi32, #tpu.memory_space<vmem>>
      %dma_start3A_11 = tpu.memref_squeeze %dma_start3A_10 : memref<1x128xi32, #tpu.memory_space<vmem>> -> memref<128xi32, #tpu.memory_space<vmem>>
      %dma_start3A_12 = arith.constant 0 : i32
      %dma_start3A_13 = arith.constant 0 : i32
      %dma_start3A_14 = tpu.memref_slice %arg2[%dma_start3A_12, %dma_start3A_13] : memref<10240x128xf32, #tpu.memory_space<hbm>> -> memref<10240x128xf32, #tpu.memory_space<hbm>>
      tpu.enqueue_indirect_dma source(%dma_start3A_14 : memref<10240x128xf32, #tpu.memory_space<hbm>>) target(%arg9 : memref<128x128xf32, #tpu.memory_space<vmem>>) offsets(%dma_start3A_11 : memref<128xi32, #tpu.memory_space<vmem>>) semaphore(%arg11 : memref<!tpu.dma_semaphore, #tpu.memory_space<semaphore_mem>>)
      %dma_wait3A = arith.constant 0 : i32
      %dma_wait3A_15 = tpu.memref_slice %arg7[%scan3A_9, %dma_wait3A] : memref<80x128xi32, #tpu.memory_space<vmem>> -> memref<1x128xi32, #tpu.memory_space<vmem>>
      %dma_wait3A_16 = tpu.memref_squeeze %dma_wait3A_15 : memref<1x128xi32, #tpu.memory_space<vmem>> -> memref<128xi32, #tpu.memory_space<vmem>>
      %dma_wait3A_17 = arith.constant 0 : i32
      %dma_wait3A_18 = arith.constant 0 : i32
      %dma_wait3A_19 = tpu.memref_slice %arg2[%dma_wait3A_17, %dma_wait3A_18] : memref<10240x128xf32, #tpu.memory_space<hbm>> -> memref<10240x128xf32, #tpu.memory_space<hbm>>
      tpu.wait_indirect_dma semaphore(%arg11 : memref<!tpu.dma_semaphore, #tpu.memory_space<semaphore_mem>>) src(%dma_wait3A_19 : memref<10240x128xf32, #tpu.memory_space<hbm>>) dst(%arg9 : memref<128x128xf32, #tpu.memory_space<vmem>>)
      "tpu.region"() ({
        %run_scoped3A = tpu.sem_alloc : memref<!tpu.dma_semaphore, #tpu.memory_space<semaphore_mem>>
        %dma_start3A_20 = arith.constant 0 : i32
        %dma_start3A_21 = tpu.memref_slice %arg8[%scan3A_9, %dma_start3A_20] : memref<80x128xi32, #tpu.memory_space<vmem>> -> memref<1x128xi32, #tpu.memory_space<vmem>>
        %dma_start3A_22 = tpu.memref_squeeze %dma_start3A_21 : memref<1x128xi32, #tpu.memory_space<vmem>> -> memref<128xi32, #tpu.memory_space<vmem>>
        %dma_start3A_23 = arith.constant 0 : i32
        %dma_start3A_24 = arith.constant 0 : i32
        %dma_start3A_25 = tpu.memref_slice %arg10[%dma_start3A_23, %dma_start3A_24] : memref<10240x128xf32, #tpu.memory_space<vmem_shared>> -> memref<10240x128xf32, #tpu.memory_space<vmem_shared>>
        tpu.enqueue_indirect_dma source(%arg9 : memref<128x128xf32, #tpu.memory_space<vmem>>) target(%dma_start3A_25 : memref<10240x128xf32, #tpu.memory_space<vmem_shared>>) offsets(%dma_start3A_22 : memref<128xi32, #tpu.memory_space<vmem>>) semaphore(%run_scoped3A : memref<!tpu.dma_semaphore, #tpu.memory_space<semaphore_mem>>) {add = true}
        %dma_wait3A_26 = arith.constant 0 : i32
        %dma_wait3A_27 = tpu.memref_slice %arg8[%scan3A_9, %dma_wait3A_26] : memref<80x128xi32, #tpu.memory_space<vmem>> -> memref<1x128xi32, #tpu.memory_space<vmem>>
        %dma_wait3A_28 = tpu.memref_squeeze %dma_wait3A_27 : memref<1x128xi32, #tpu.memory_space<vmem>> -> memref<128xi32, #tpu.memory_space<vmem>>
        %dma_wait3A_29 = arith.constant 0 : i32
        %dma_wait3A_30 = arith.constant 0 : i32
        %dma_wait3A_31 = tpu.memref_slice %arg10[%dma_wait3A_29, %dma_wait3A_30] : memref<10240x128xf32, #tpu.memory_space<vmem_shared>> -> memref<10240x128xf32, #tpu.memory_space<vmem_shared>>
        tpu.wait_indirect_dma semaphore(%run_scoped3A : memref<!tpu.dma_semaphore, #tpu.memory_space<semaphore_mem>>) src(%arg9 : memref<128x128xf32, #tpu.memory_space<vmem>>) dst(%dma_wait3A_31 : memref<10240x128xf32, #tpu.memory_space<vmem_shared>>)
        tpu.yield
      }) : () -> ()
    }
    %scan3A_7 = arith.constant 80 : i32
    %barrier3A_8 = arith.constant 0 : index
    tpu.barrier barrier_id(%barrier3A_8)
    "tpu.region"() ({
      %run_scoped3A = tpu.sem_alloc : memref<!tpu.dma_semaphore, #tpu.memory_space<semaphore_mem>>
      %dma_start3A = arith.constant 0 : i32
      %dma_start3A_9 = tpu.memref_slice %arg6[%arg0, %mul3A_2, %dma_start3A] : memref<2x10240x128xf32, #tpu.memory_space<hbm>> -> memref<1x640x128xf32, #tpu.memory_space<hbm>>
      %dma_start3A_10 = tpu.memref_squeeze %dma_start3A_9 : memref<1x640x128xf32, #tpu.memory_space<hbm>> -> memref<640x128xf32, #tpu.memory_space<hbm>>
      %dma_start3A_11 = arith.constant 0 : i32
      %dma_start3A_12 = tpu.memref_slice %arg10[%mul3A_2, %dma_start3A_11] : memref<10240x128xf32, #tpu.memory_space<vmem_shared>> -> memref<640x128xf32, #tpu.memory_space<vmem_shared>>
      tpu.enqueue_dma source(%dma_start3A_12 : memref<640x128xf32, #tpu.memory_space<vmem_shared>>) target(%dma_start3A_10 : memref<640x128xf32, #tpu.memory_space<hbm>>) target_semaphore(%run_scoped3A : memref<!tpu.dma_semaphore, #tpu.memory_space<semaphore_mem>>)
      %dma_wait3A = arith.constant 0 : i32
      %dma_wait3A_13 = tpu.memref_slice %arg6[%arg0, %mul3A_2, %dma_wait3A] : memref<2x10240x128xf32, #tpu.memory_space<hbm>> -> memref<1x640x128xf32, #tpu.memory_space<hbm>>
      %dma_wait3A_14 = tpu.memref_squeeze %dma_wait3A_13 : memref<1x640x128xf32, #tpu.memory_space<hbm>> -> memref<640x128xf32, #tpu.memory_space<hbm>>
      %dma_wait3A_15 = arith.constant 0 : i32
      %dma_wait3A_16 = tpu.memref_slice %arg10[%mul3A_2, %dma_wait3A_15] : memref<10240x128xf32, #tpu.memory_space<vmem_shared>> -> memref<640x128xf32, #tpu.memory_space<vmem_shared>>
      tpu.wait_dma2 semaphore(%run_scoped3A : memref<!tpu.dma_semaphore, #tpu.memory_space<semaphore_mem>>) src(%dma_wait3A_16 : memref<640x128xf32, #tpu.memory_space<vmem_shared>>) dst(%dma_wait3A_14 : memref<640x128xf32, #tpu.memory_space<hbm>>)
      tpu.yield
    }) : () -> ()
    return
  }
}

module attributes {stable_mosaic.version = 14 : i64} {
  func.func @_dense_body(%arg0: i32, %arg1: memref<2x256x128xf32, #tpu.memory_space<vmem>>, %arg2: memref<2x256x128xf32, #tpu.memory_space<vmem>>, %arg3: memref<256x128xf32, #tpu.memory_space<vmem>>, %arg4: memref<128x128xf32, #tpu.memory_space<vmem>>, %arg5: memref<128x128xf32, #tpu.memory_space<vmem>>, %arg6: memref<1x128xf32, #tpu.memory_space<vmem>>, %arg7: memref<256x128xf32, #tpu.memory_space<vmem>>) attributes {dimension_semantics = [#tpu.dimension_semantics<arbitrary>], iteration_bounds = array<i64: 40>, scalar_prefetch = 0 : i64, scratch_operands = 0 : i64, tpu.core_type = #tpu.core_type<tc>, window_params = [{transform_indices = @transform_0, window_bounds = array<i64: 2, 256, 128>}, {transform_indices = @transform_1, window_bounds = array<i64: 2, 256, 128>}, {transform_indices = @transform_2, window_bounds = array<i64: 256, 128>}, {pipeline_mode = #tpu.pipeline_mode<synchronous>, transform_indices = @transform_3, window_bounds = array<i64: 128, 128>}, {pipeline_mode = #tpu.pipeline_mode<synchronous>, transform_indices = @transform_4, window_bounds = array<i64: 128, 128>}, {pipeline_mode = #tpu.pipeline_mode<synchronous>, transform_indices = @transform_5, window_bounds = array<i64: 1, 128>}, {transform_indices = @transform_6, window_bounds = array<i64: 256, 128>}]} {
    %get3A = arith.constant 0 : index
    %get3A_0 = arith.constant 0 : index
    %get3A_1 = arith.constant 0 : index
    %get3A_2 = vector.load %arg1[%get3A, %get3A_0, %get3A_1] : memref<2x256x128xf32, #tpu.memory_space<vmem>>, vector<1x256x128xf32>
    %get3A_3 = vector.shape_cast %get3A_2 : vector<1x256x128xf32> to vector<256x128xf32>
    %get3A_4 = arith.constant 1 : index
    %get3A_5 = arith.constant 0 : index
    %get3A_6 = arith.constant 0 : index
    %get3A_7 = vector.load %arg1[%get3A_4, %get3A_5, %get3A_6] : memref<2x256x128xf32, #tpu.memory_space<vmem>>, vector<1x256x128xf32>
    %get3A_8 = vector.shape_cast %get3A_7 : vector<1x256x128xf32> to vector<256x128xf32>
    %add3A = arith.addf %get3A_3, %get3A_8 : vector<256x128xf32>
    %get3A_9 = arith.constant 0 : index
    %get3A_10 = arith.constant 0 : index
    %get3A_11 = arith.constant 0 : index
    %get3A_12 = vector.load %arg2[%get3A_9, %get3A_10, %get3A_11] : memref<2x256x128xf32, #tpu.memory_space<vmem>>, vector<1x256x1xf32>
    %get3A_13 = vector.shape_cast %get3A_12 : vector<1x256x1xf32> to vector<256x1xf32>
    %get3A_14 = arith.constant 1 : index
    %get3A_15 = arith.constant 0 : index
    %get3A_16 = arith.constant 0 : index
    %get3A_17 = vector.load %arg2[%get3A_14, %get3A_15, %get3A_16] : memref<2x256x128xf32, #tpu.memory_space<vmem>>, vector<1x256x1xf32>
    %get3A_18 = vector.shape_cast %get3A_17 : vector<1x256x1xf32> to vector<256x1xf32>
    %add3A_19 = arith.addf %get3A_13, %get3A_18 : vector<256x1xf32>
    %max3A = arith.constant 1.000000e+00 : f32
    %max3A_20 = vector.broadcast %max3A : f32 to vector<256x1xf32>
    %max3A_21 = arith.maximumf %add3A_19, %max3A_20 : vector<256x1xf32>
    %div3A = vector.broadcast %max3A_21 : vector<256x1xf32> to vector<256x128xf32>
    %div3A_22 = arith.divf %add3A, %div3A : vector<256x128xf32>
    %get3A_23 = arith.constant 0 : index
    %get3A_24 = arith.constant 0 : index
    %get3A_25 = vector.load %arg4[%get3A_23, %get3A_24] : memref<128x128xf32, #tpu.memory_space<vmem>>, vector<128x128xf32>
    %dot_general3A = arith.constant dense<0.000000e+00> : vector<256x128xf32>
    %dot_general3A_26 = tpu.matmul %div3A_22, %get3A_25, %dot_general3A {dimension_numbers = #tpu.dot_dimension_numbers<[1], [1], [0], [0], [0, 0, 1, 0], [], []>, precision = #tpu.contract_precision<fp32>, transpose_lhs_hint = false} : vector<256x128xf32>, vector<128x128xf32>, vector<256x128xf32> -> vector<256x128xf32>
    %get3A_27 = arith.constant 0 : index
    %get3A_28 = arith.constant 0 : index
    %get3A_29 = vector.load %arg3[%get3A_27, %get3A_28] : memref<256x128xf32, #tpu.memory_space<vmem>>, vector<256x128xf32>
    %get3A_30 = arith.constant 0 : index
    %get3A_31 = arith.constant 0 : index
    %get3A_32 = vector.load %arg5[%get3A_30, %get3A_31] : memref<128x128xf32, #tpu.memory_space<vmem>>, vector<128x128xf32>
    %dot_general3A_33 = arith.constant dense<0.000000e+00> : vector<256x128xf32>
    %dot_general3A_34 = tpu.matmul %get3A_29, %get3A_32, %dot_general3A_33 {dimension_numbers = #tpu.dot_dimension_numbers<[1], [1], [0], [0], [0, 0, 1, 0], [], []>, precision = #tpu.contract_precision<fp32>, transpose_lhs_hint = false} : vector<256x128xf32>, vector<128x128xf32>, vector<256x128xf32> -> vector<256x128xf32>
    %add3A_35 = arith.addf %dot_general3A_26, %dot_general3A_34 : vector<256x128xf32>
    %get3A_36 = arith.constant 0 : index
    %get3A_37 = arith.constant 0 : index
    %get3A_38 = vector.load %arg6[%get3A_36, %get3A_37] : memref<1x128xf32, #tpu.memory_space<vmem>>, vector<1x128xf32>
    %add3A_39 = vector.broadcast %get3A_38 : vector<1x128xf32> to vector<256x128xf32>
    %add3A_40 = arith.addf %add3A_35, %add3A_39 : vector<256x128xf32>
    %swap3A = arith.constant 0 : index
    %swap3A_41 = arith.constant 0 : index
    %swap3A_42 = vector.load %arg7[%swap3A, %swap3A_41] : memref<256x128xf32, #tpu.memory_space<vmem>>, vector<256x128xf32>
    tpu.vector_store %arg7[%swap3A, %swap3A_41], %add3A_40 {strides = array<i32>} : memref<256x128xf32, #tpu.memory_space<vmem>>, vector<256x128xf32>,
    return
  }
  func.func @transform_0(%arg0: i32) -> (i32, i32, i32) {
    %c0_i32 = arith.constant 0 : i32
    %c0_i32_0 = arith.constant 0 : i32
    %c0_i32_1 = arith.constant 0 : i32
    return %c0_i32, %arg0, %c0_i32_0 : i32, i32, i32
  }
  func.func @transform_1(%arg0: i32) -> (i32, i32, i32) {
    %c0_i32 = arith.constant 0 : i32
    %c0_i32_0 = arith.constant 0 : i32
    %c0_i32_1 = arith.constant 0 : i32
    return %c0_i32, %arg0, %c0_i32_0 : i32, i32, i32
  }
  func.func @transform_2(%arg0: i32) -> (i32, i32) {
    %c0_i32 = arith.constant 0 : i32
    %c0_i32_0 = arith.constant 0 : i32
    return %arg0, %c0_i32 : i32, i32
  }
  func.func @transform_3(%arg0: i32) -> (i32, i32) {
    %c0_i32 = arith.constant 0 : i32
    %c0_i32_0 = arith.constant 0 : i32
    %c0_i32_1 = arith.constant 0 : i32
    return %c0_i32, %c0_i32_0 : i32, i32
  }
  func.func @transform_4(%arg0: i32) -> (i32, i32) {
    %c0_i32 = arith.constant 0 : i32
    %c0_i32_0 = arith.constant 0 : i32
    %c0_i32_1 = arith.constant 0 : i32
    return %c0_i32, %c0_i32_0 : i32, i32
  }
  func.func @transform_5(%arg0: i32) -> (i32, i32) {
    %c0_i32 = arith.constant 0 : i32
    %c0_i32_0 = arith.constant 0 : i32
    %c0_i32_1 = arith.constant 0 : i32
    return %c0_i32, %c0_i32_0 : i32, i32
  }
  func.func @transform_6(%arg0: i32) -> (i32, i32) {
    %c0_i32 = arith.constant 0 : i32
    %c0_i32_0 = arith.constant 0 : i32
    return %arg0, %c0_i32 : i32, i32
  }
}

module attributes {stable_mosaic.version = 14 : i64} {
  func.func @_dense_body(%arg0: i32, %arg1: memref<2x256x128xf32, #tpu.memory_space<vmem>>, %arg2: memref<2x256x128xf32, #tpu.memory_space<vmem>>, %arg3: memref<256x128xf32, #tpu.memory_space<vmem>>, %arg4: memref<128x128xf32, #tpu.memory_space<vmem>>, %arg5: memref<128x128xf32, #tpu.memory_space<vmem>>, %arg6: memref<1x128xf32, #tpu.memory_space<vmem>>, %arg7: memref<256x128xf32, #tpu.memory_space<vmem>>) attributes {dimension_semantics = [#tpu.dimension_semantics<arbitrary>], iteration_bounds = array<i64: 40>, scalar_prefetch = 0 : i64, scratch_operands = 0 : i64, tpu.core_type = #tpu.core_type<tc>, window_params = [{transform_indices = @transform_0, window_bounds = array<i64: 2, 256, 128>}, {transform_indices = @transform_1, window_bounds = array<i64: 2, 256, 128>}, {transform_indices = @transform_2, window_bounds = array<i64: 256, 128>}, {pipeline_mode = #tpu.pipeline_mode<synchronous>, transform_indices = @transform_3, window_bounds = array<i64: 128, 128>}, {pipeline_mode = #tpu.pipeline_mode<synchronous>, transform_indices = @transform_4, window_bounds = array<i64: 128, 128>}, {pipeline_mode = #tpu.pipeline_mode<synchronous>, transform_indices = @transform_5, window_bounds = array<i64: 1, 128>}, {transform_indices = @transform_6, window_bounds = array<i64: 256, 128>}]} {
    %get3A = arith.constant 0 : index
    %get3A_0 = arith.constant 0 : index
    %get3A_1 = arith.constant 0 : index
    %get3A_2 = vector.load %arg1[%get3A, %get3A_0, %get3A_1] : memref<2x256x128xf32, #tpu.memory_space<vmem>>, vector<1x256x128xf32>
    %get3A_3 = vector.shape_cast %get3A_2 : vector<1x256x128xf32> to vector<256x128xf32>
    %get3A_4 = arith.constant 1 : index
    %get3A_5 = arith.constant 0 : index
    %get3A_6 = arith.constant 0 : index
    %get3A_7 = vector.load %arg1[%get3A_4, %get3A_5, %get3A_6] : memref<2x256x128xf32, #tpu.memory_space<vmem>>, vector<1x256x128xf32>
    %get3A_8 = vector.shape_cast %get3A_7 : vector<1x256x128xf32> to vector<256x128xf32>
    %add3A = arith.addf %get3A_3, %get3A_8 : vector<256x128xf32>
    %get3A_9 = arith.constant 0 : index
    %get3A_10 = arith.constant 0 : index
    %get3A_11 = arith.constant 0 : index
    %get3A_12 = vector.load %arg2[%get3A_9, %get3A_10, %get3A_11] : memref<2x256x128xf32, #tpu.memory_space<vmem>>, vector<1x256x1xf32>
    %get3A_13 = vector.shape_cast %get3A_12 : vector<1x256x1xf32> to vector<256x1xf32>
    %get3A_14 = arith.constant 1 : index
    %get3A_15 = arith.constant 0 : index
    %get3A_16 = arith.constant 0 : index
    %get3A_17 = vector.load %arg2[%get3A_14, %get3A_15, %get3A_16] : memref<2x256x128xf32, #tpu.memory_space<vmem>>, vector<1x256x1xf32>
    %get3A_18 = vector.shape_cast %get3A_17 : vector<1x256x1xf32> to vector<256x1xf32>
    %add3A_19 = arith.addf %get3A_13, %get3A_18 : vector<256x1xf32>
    %max3A = arith.constant 1.000000e+00 : f32
    %max3A_20 = vector.broadcast %max3A : f32 to vector<256x1xf32>
    %max3A_21 = arith.maximumf %add3A_19, %max3A_20 : vector<256x1xf32>
    %div3A = vector.broadcast %max3A_21 : vector<256x1xf32> to vector<256x128xf32>
    %div3A_22 = arith.divf %add3A, %div3A : vector<256x128xf32>
    %get3A_23 = arith.constant 0 : index
    %get3A_24 = arith.constant 0 : index
    %get3A_25 = vector.load %arg4[%get3A_23, %get3A_24] : memref<128x128xf32, #tpu.memory_space<vmem>>, vector<128x128xf32>
    %dot_general3A = arith.constant dense<0.000000e+00> : vector<256x128xf32>
    %dot_general3A_26 = tpu.matmul %div3A_22, %get3A_25, %dot_general3A {dimension_numbers = #tpu.dot_dimension_numbers<[1], [1], [0], [0], [0, 0, 1, 0], [], []>, precision = #tpu.contract_precision<fp32>, transpose_lhs_hint = false} : vector<256x128xf32>, vector<128x128xf32>, vector<256x128xf32> -> vector<256x128xf32>
    %get3A_27 = arith.constant 0 : index
    %get3A_28 = arith.constant 0 : index
    %get3A_29 = vector.load %arg3[%get3A_27, %get3A_28] : memref<256x128xf32, #tpu.memory_space<vmem>>, vector<256x128xf32>
    %get3A_30 = arith.constant 0 : index
    %get3A_31 = arith.constant 0 : index
    %get3A_32 = vector.load %arg5[%get3A_30, %get3A_31] : memref<128x128xf32, #tpu.memory_space<vmem>>, vector<128x128xf32>
    %dot_general3A_33 = arith.constant dense<0.000000e+00> : vector<256x128xf32>
    %dot_general3A_34 = tpu.matmul %get3A_29, %get3A_32, %dot_general3A_33 {dimension_numbers = #tpu.dot_dimension_numbers<[1], [1], [0], [0], [0, 0, 1, 0], [], []>, precision = #tpu.contract_precision<fp32>, transpose_lhs_hint = false} : vector<256x128xf32>, vector<128x128xf32>, vector<256x128xf32> -> vector<256x128xf32>
    %add3A_35 = arith.addf %dot_general3A_26, %dot_general3A_34 : vector<256x128xf32>
    %get3A_36 = arith.constant 0 : index
    %get3A_37 = arith.constant 0 : index
    %get3A_38 = vector.load %arg6[%get3A_36, %get3A_37] : memref<1x128xf32, #tpu.memory_space<vmem>>, vector<1x128xf32>
    %add3A_39 = vector.broadcast %get3A_38 : vector<1x128xf32> to vector<256x128xf32>
    %add3A_40 = arith.addf %add3A_35, %add3A_39 : vector<256x128xf32>
    %max3A_41 = arith.constant 0.000000e+00 : f32
    %max3A_42 = vector.broadcast %max3A_41 : f32 to vector<256x128xf32>
    %max3A_43 = arith.maximumf %add3A_40, %max3A_42 : vector<256x128xf32>
    %swap3A = arith.constant 0 : index
    %swap3A_44 = arith.constant 0 : index
    %swap3A_45 = vector.load %arg7[%swap3A, %swap3A_44] : memref<256x128xf32, #tpu.memory_space<vmem>>, vector<256x128xf32>
    tpu.vector_store %arg7[%swap3A, %swap3A_44], %max3A_43 {strides = array<i32>} : memref<256x128xf32, #tpu.memory_space<vmem>>, vector<256x128xf32>,
    return
  }
  func.func @transform_0(%arg0: i32) -> (i32, i32, i32) {
    %c0_i32 = arith.constant 0 : i32
    %c0_i32_0 = arith.constant 0 : i32
    %c0_i32_1 = arith.constant 0 : i32
    return %c0_i32, %arg0, %c0_i32_0 : i32, i32, i32
  }
  func.func @transform_1(%arg0: i32) -> (i32, i32, i32) {
    %c0_i32 = arith.constant 0 : i32
    %c0_i32_0 = arith.constant 0 : i32
    %c0_i32_1 = arith.constant 0 : i32
    return %c0_i32, %arg0, %c0_i32_0 : i32, i32, i32
  }
  func.func @transform_2(%arg0: i32) -> (i32, i32) {
    %c0_i32 = arith.constant 0 : i32
    %c0_i32_0 = arith.constant 0 : i32
    return %arg0, %c0_i32 : i32, i32
  }
  func.func @transform_3(%arg0: i32) -> (i32, i32) {
    %c0_i32 = arith.constant 0 : i32
    %c0_i32_0 = arith.constant 0 : i32
    %c0_i32_1 = arith.constant 0 : i32
    return %c0_i32, %c0_i32_0 : i32, i32
  }
  func.func @transform_4(%arg0: i32) -> (i32, i32) {
    %c0_i32 = arith.constant 0 : i32
    %c0_i32_0 = arith.constant 0 : i32
    %c0_i32_1 = arith.constant 0 : i32
    return %c0_i32, %c0_i32_0 : i32, i32
  }
  func.func @transform_5(%arg0: i32) -> (i32, i32) {
    %c0_i32 = arith.constant 0 : i32
    %c0_i32_0 = arith.constant 0 : i32
    %c0_i32_1 = arith.constant 0 : i32
    return %c0_i32, %c0_i32_0 : i32, i32
  }
  func.func @transform_6(%arg0: i32) -> (i32, i32) {
    %c0_i32 = arith.constant 0 : i32
    %c0_i32_0 = arith.constant 0 : i32
    return %arg0, %c0_i32 : i32, i32
  }
}

</mosaic_0001>

<sc_bundles>
// kernel: kernel.10.cloned.1.call-start
scs
__scs_entry_jumppad:
0x0: {  	(pc) =	sbr.rel $0x88, $3  }
0x1: {  	(tag) =	ssettag $0x0;
	lr =	simm.s32 $0x1  }
0x2: {  	[smem:$0x3F99] =	sst lr;
	_ =	strace $0xD0000000  }
0x3: {  	_ = 	snop  }
0x4: {  	_ = 	snop  }
0x5: {  	_ = 	snop  }
0x6: {  	_ = 	snop  }
0x7: {  	_ = 	snop  }
__scs_overlays_trampoline_lowered:
0x8: {  	[smem:$0x3FA8] =	sst s0  }
0x9: {  	[smem:$0x3FA9] =	sst s1  }
0xa: {  	[smem:$0x3FAA] =	sst s2  }
0xb: {  	[smem:$0x3FAB] =	sst s3  }
0xc: {  	[smem:$0x3FAC] =	sst s4  }
0xd: {  	[smem:$0x3FAD] =	sst s5  }
0xe: {  	[smem:$0x3FAE] =	sst s6  }
0xf: {  	[smem:$0x3FAF] =	sst s7  }
0x10: {  	[smem:$0x3FB0] =	sst s8  }
0x11: {  	[smem:$0x3FB1] =	sst s9;
	s0 =	simm.s32 @!p0 $0x0  }
0x12: {  	s1 =	sld [smem:$0x3F97];
	s0 =	simm.s32 @p0 $0x1  }
0x13: {  	[smem:$0x3FB2] =	sst s0;
	s0 =	simm.s32 @!p1 $0x0  }
0x14: {  	s2 =	sld [smem:$0x3F96];
	s0 =	simm.s32 @p1 $0x1  }
0x15: {  	[smem:$0x3FB3] =	sst s0;
	s0 =	simm.s32 @!p2 $0x0  }
0x16: {  	s3 =	sld [smem:$0x3FDB];
	s0 =	simm.s32 @p2 $0x1  }
0x17: {  	s4 =	simm.s32 $0x1BF5;
	[smem:$0x3FB5] =	sst s0  }
0x18: {  	s0 =	sld [smem:$0x3F98];
	_ =	swait.ge [sflag:s4], $0x0  }
0x19: {  	s7 =	sld [smem:$0x3F99]  }
0x1a: {  	s8 =	sadd.s32 $0xFFFFE003, lr  }
0x1b: {  	s9 =	sadd.s32 $0xFFFFFEF7, lr;
	s5 =	simm.s32 $0xFFFFFFFF;
	p2 =	slt.u32 s8, $0xFFFFF086  }
0x1c: {  	p1 =	slt.u32 s9, $0xF7A;
	s5 =	simm.s32 @!p2 $0x0  }
0x1d: {  	s5 =	simm.s32 @p1 $0x1;
	p0 =	seq.s32 s7, s2  }
0x1e: {  	s7 =	smul.u32 @!p0 $0xF7A, s2;
	p2 =	seq.s32 @!p0 s5, $0x0  }
0x1f: {  	s9 =	smul.u32 $0xF7A, s1;
	s8 =	simm.s32 @!p0 $0x1BF5;
	p2 =	por !p2, p0  }
0x20: {  	[sflag:s8] =	ssyncset.s32 @!p0 $0xFFFFF086;
	s6 =	sadd.s32 @!p0 s3, s7;
	s7 =	simm.s32 @!p0 $0x108  }
0x21: {  	s3 =	sadd.s32 s3, s9;
	s6 =	sadd.s32 @!p0 $0x88, s6;
	s7 =	simm.s32 @p2 $0x1082  }
0x22: {  	[simem:s7], [sflag:s8] =	dma.local @!p0 [hbm:s6], $0xF7A  }
0x23: {  	s9 =	sor.u32 $0xD0000000, s2;
	s6 =	simm.s32 $0x108;
	_ =	swait.ge @!p0 [sflag:s8], $0x0  }
0x24: {  	s3 =	sadd.s32 $0x88, s3;
	s6 =	simm.s32 @!p1 $0x1082;
	[sflag:s4] =	ssyncset.s32 $0xFFFFF086  }
0x25: {  	[simem:s6], [sflag:s4] =	dma.local [hbm:s3], $0xF7A  }
0x26: {  	[smem:$0x3F99] =	sst s1;
	(tag) =	ssettag s2;
	_ =	strace s9  }
0x27: {  	s1 =	sld [smem:$0x3FA9]  }
0x28: {  	s2 =	sld [smem:$0x3FAA]  }
0x29: {  	s4 =	sld [smem:$0x3FAC]  }
0x2a: {  	p0 =	seq.s32 s5, $0x0;
	s5 =	sld [smem:$0x3FAD]  }
0x2b: {  	s6 =	sld [smem:$0x3FAE]  }
0x2c: {  	s7 =	sld [smem:$0x3FAF]  }
0x2d: {  	s3 =	simm.s32 $0x108;
	s8 =	sld [smem:$0x3FB0]  }
0x2e: {  	s3 =	simm.s32 @!p0 $0x1082;
	s9 =	sld [smem:$0x3FB1]  }
0x2f: {  	lr =	sadd.s32 s0, s3;
	s0 =	sld [smem:$0x3FA8]  }
0x30: {  	s3 =	sld [smem:$0x3FAB]  }
0x31: {  	[smem:$0x3FB4] =	sst s10  }
0x32: {  	s10 =	sld [smem:$0x3FB2];
	_ =	sdelay $0x3  }
0x33: {  	p0 =	seq.s32 s10, $0x1;
	s10 =	sld [smem:$0x3FB4];
	_ =	sdelay $0x3  }
0x34: {  	[smem:$0x3FB4] =	sst s10  }
0x35: {  	s10 =	sld [smem:$0x3FB3];
	_ =	sdelay $0x3  }
0x36: {  	p1 =	seq.s32 s10, $0x1;
	s10 =	sld [smem:$0x3FB4];
	_ =	sdelay $0x3  }
0x37: {  	[smem:$0x3FB4] =	sst s10  }
0x38: {  	s10 =	sld [smem:$0x3FB5]  }
0x39: {  	_ = 	snop;
	(pc) =	sbr.ind lr, $3  }
0x3a: {  	_ = 	snop  }
0x3b: {  	_ = 	snop  }
0x3c: {  	p2 =	seq.s32 s10, $0x1;
	s10 =	sld [smem:$0x3FB4]  }
0x3d: {  	_ =	shalt  }
0x3e: {  	_ =	shalt  }
0x3f: {  	_ =	shalt  }
0x40: {  	_ =	shalt  }
0x41: {  	_ =	shalt  }
0x42: {  	_ =	shalt  }
0x43: {  	_ =	shalt  }
0x44: {  	_ =	shalt  }
0x45: {  	_ =	shalt  }
0x46: {  	_ =	shalt  }
0x47: {  	_ =	shalt  }
0x48: {  	_ =	shalt  }
0x49: {  	_ =	shalt  }
0x4a: {  	_ =	shalt  }
0x4b: {  	_ =	shalt  }
0x4c: {  	_ =	shalt  }
0x4d: {  	_ =	shalt  }
0x4e: {  	_ =	shalt  }
0x4f: {  	_ =	shalt  }
0x50: {  	_ =	shalt  }
0x51: {  	_ =	shalt  }
0x52: {  	_ =	shalt  }
0x53: {  	_ =	shalt  }
0x54: {  	_ =	shalt  }
0x55: {  	_ =	shalt  }
0x56: {  	_ =	shalt  }
0x57: {  	_ =	shalt  }
0x58: {  	_ =	shalt  }
0x59: {  	_ =	shalt  }
0x5a: {  	_ =	shalt  }
0x5b: {  	_ =	shalt  }
0x5c: {  	_ =	shalt  }
0x5d: {  	_ =	shalt  }
0x5e: {  	_ =	shalt  }
0x5f: {  	_ =	shalt  }
0x60: {  	_ =	shalt  }
0x61: {  	_ =	shalt  }
0x62: {  	_ =	shalt  }
0x63: {  	_ =	shalt  }
0x64: {  	_ =	shalt  }
0x65: {  	_ =	shalt  }
0x66: {  	_ =	shalt  }
0x67: {  	_ =	shalt  }
0x68: {  	_ =	shalt  }
0x69: {  	_ =	shalt  }
0x6a: {  	_ =	shalt  }
0x6b: {  	_ =	shalt  }
0x6c: {  	_ =	shalt  }
0x6d: {  	_ =	shalt  }
0x6e: {  	_ =	shalt  }
0x6f: {  	_ =	shalt  }
0x70: {  	_ =	shalt  }
0x71: {  	_ =	shalt  }
0x72: {  	_ =	shalt  }
0x73: {  	_ =	shalt  }
0x74: {  	_ =	shalt  }
0x75: {  	_ =	shalt  }
0x76: {  	_ =	shalt  }
0x77: {  	_ =	shalt  }
0x78: {  	_ =	shalt  }
0x79: {  	_ =	shalt  }
0x7a: {  	_ =	shalt  }
0x7b: {  	_ =	shalt  }
0x7c: {  	_ =	shalt  }
0x7d: {  	_ =	shalt  }
0x7e: {  	_ =	shalt  }
0x7f: {  	_ =	shalt  }
0x80: {  	_ =	shalt  }
0x81: {  	_ =	shalt  }
0x82: {  	_ =	shalt  }
0x83: {  	_ =	shalt  }
0x84: {  	_ =	shalt  }
0x85: {  	_ =	shalt  }
0x86: {  	_ =	shalt  }
0x87: {  	_ =	shalt  }
.Lfunc_end0:
.L_simem_size_0:
called_computation.1_lowered:
.L_overlay_start_0:
0x88: {  	s2 =	sld [smem:$0x3FD9]  }
0x89: {  	s3 =	sld [smem:$0x3FFE];
	_ =	sdelay $0x1  }
0x8a: {  	s1 =	srdreg.scid  }
0x8b: {  	s0 =	sand.u32 $0x1, s1  }
0x8c: {  	s17 =	sshll.u32 s0, $0xA;
	s2 =	sadd.s32 s3, s2  }
0x8d: {  	s2 =	sadd.s32 s2, s17  }
0x8e: {  	[smem:$0x3FC0] =	sst s2  }
0x8f: {  	_ = 	snop  }
0x90: {  	s2 =	sld [smem:$0x3FD0];
	(tm) =	ssettm $0x1  }
0x91: {  	s18 =	sld [smem:$0x3FFB];
	_ =	sdelay $0x3  }
0x92: {  	_ =	strace s18  }
0x93: {  	s3 =	sld [smem:$0x3FFC];
	_ =	sdelay $0x3  }
0x94: {  	_ =	strace s3  }
0x95: {  	s3 =	sld [smem:$0x3FFD];
	_ =	sdelay $0x3  }
0x96: {  	_ =	strace s3  }
0x97: {  	_ =	strace $0x8FFFFFFF  }
0x98: {  	s19 =	sld [smem:$0x3FDB];
	_ =	sdelay $0x1  }
0x99: {  	s4 =	simm.s32 $_scs_section_size  }
0x9a: {  	s5 =	simm.s32 $_size__tile_overlayer_lowered;
	s6 =	simm.s32 $_tile_overlayer_lowered  }
0x9b: {  	s22 =	simm.s32 $0x1BFF;
	s21 =	sshll.u32 s6, $0x1;
	s3 =	sadd.s32 s4, s19  }
0x9c: {  	s7 =	simm.s32 $0x0;
	s20 =	sshll.u32 s5, $0x1;
	s5 =	sadd.s32 s21, s3  }
0x9d: {  	[timem:s7], [sflag:s22] =	dma.local [hbm:s5], s20  }
0x9e: {  	_ =	swait.ge [sflag:s22], s20  }
0x9f: {  	s4 =	ssub.s32 $0x0, s20;
	[sflag:s22] =	ssyncset.done $0x0  }
0xa0: {  	[sflag:s22] =	ssyncadd.s32 s4;
	_ =	sdelay $0x1  }
0xa1: {  	s23 =	simm.s32 $0x1B8B  }
0xa2: {  	_ =	swait.ge [sflag:s23], $0x1  }
0xa3: {  	[sflag:s23] =	ssyncset.done $0x0  }
0xa4: {  	s25 =	simm.s32 $0x1B8E;
	s24 =	sld [smem:$0x3FFE];
	[sflag:s23] =	ssyncadd.s32 $0xFFFFFFFF  }
0xa5: {  	s26 =	simm.s32 $execute0_lowered;
	[smem:$0x3FD2] =	sst s25  }
0xa6: {  	s5 =	sshll.u32 s26, $0x1;
	_ =	strace $0x80000046;
	[dreg:$0x1] =	wrdreg $0xFFFFFFFF  }
0xa7: {  	s28 =	simm.s32 $_size_execute0_lowered;
	s3 =	sadd.s32 s3, s5;
	[dreg:$0x0] =	wrdreg $0x0  }
0xa8: {  	s5 =	sshll.u32 s28, $0x1;
	[dreg:$0x2] =	wrdreg s3  }
0xa9: {  	[dreg:$0x3] =	wrdreg s5  }
0xaa: {  	[dreg:$0x4] =	wrdreg $0xC0  }
0xab: {  	_ =	task [dreg:s7], $0x5FFFF  }
0xac: {  	[dreg:$0x1] =	wrdreg $0xFFFFFFFF  }
0xad: {  	[dreg:$0x0] =	wrdreg $0x60  }
0xae: {  	[dreg:$0x2] =	wrdreg s24  }
0xaf: {  	[dreg:$0x3] =	wrdreg s2  }
0xb0: {  	[dreg:$0x4] =	wrdreg $0x90000  }
0xb1: {  	[dreg:$0x5] =	wrdreg $0xA  }
0xb2: {  	_ =	task.clear_ibuf [dreg:s7], $0x6FFFF;
	_ =	strace $0x90000046  }
0xb3: {  	s29 =	simm.s32 $0xA;
	_ =	strace $0x80000048  }
0xb4: {  	_ =	swait.ge [sflag:s29], $0x1  }
0xb5: {  	[sflag:s29] =	ssyncadd.s32 $0xFFFFFFFF  }
0xb6: {  	_ =	strace $0x90000048  }
0xb7: {  	_ =	sfence  }
0xb8: {  	s30 =	sld [smem:$0x0];
	_ =	sdelay $0x2  }
0xb9: {  	s31 =	sshll.u32 s1, $0xD;
	s1 =	sshrl.u32 s1, $0x2  }
0xba: {  	s3 =	sand.u32 $0x4000, s31;
	s1 =	sadd.s32 s1, s30  }
0xbb: {  	s0 =	sor.u32 s3, s0;
	s1 =	sshll.u32 s1, $0x11  }
0xbc: {  	s0 =	sor.u32 s1, s0  }
0xbd: {  	s0 =	sadd.s32 $0x8F2B, s0  }
0xbe: {  	[sflag:s0] =	ssyncadd.remote.s32 $0x1  }
0xbf: {  	_ =	sfence.sel $0xFFFF  }
0xc0: {  	[dreg:$0x0] =	wrdreg $0xFFFFFFFF;
	(pc) =	sbr.abs _section_cstart, $3  }
0xc1: {  	[dreg:$0x1] =	wrdreg $0xFFFFFFFF  }
0xc2: {  	_ =	task.clear_ibuf [dreg:s7], $0x2FFFF;
	_ =	strace $0x9FFFFFFF  }
0xc3: {  	(tm) =	ssettm $0x7FFFFFFF  }
tec
execute0_lowered:
.L_overlay_start_1:
0x0: {  	(tag) =	ssettag $0x1  }
0x1: {  	s7 =	rddreg [dreg:$0x0]  }
0x2: {  	s8 =	rddreg [dreg:$0x1]  }
0x3: {  	s0 =	srdreg.scid;
	s2 =	rddreg [dreg:$0x2]  }
0x4: {  	s3 =	simm.s32 $0x0;
	s14 =	simm.s32 $0x80;
	s15 =	simm.s32 $0x5000  }
0x5: {  	s16 =	simm.s32 $0x1;
	s6 =	sand.u32 $0x1, s0;
	s0 =	stileid.u32  }
0x6: {  	s17 =	simm.s32 $0x0;
	[smem:$0x7FF] =	sst s3;
	s5 =	smul.u32 $0x140000, s6  }
0x7: {  	s4 =	sadd.s32 $0x2400, s7;
	s1 =	sshll.u32 s6, $0x4;
	s10 =	smul.u32 $0x14000, s0  }
0x8: {  	s12 =	smul.u32 $0x50000, s0;
	s6 =	ssub.s32 $0x2, s6;
	s1 =	sor.u32 s0, s1  }
0x9: {  	s31 =	sshll.u32 s0, $0x6;
	s30 =	sshrl.u32 s6, $0x1;
	s9 =	smul.u32 $0x500, s1  }
0xa: {  	s1 =	rddreg [dreg:$0x3];
	_ =	strace $0x80000047;
	s10 =	sadd.s32 s10, s5  }
0xb: {  	s5 =	sadd.s32 $0x34400, s7;
	s12 =	sshrl.u32 s12, $0x2;
	s13 =	ssub.s32 s6, s30  }
0xc: {  	s6 =	sor.u32 $0x1C02, s31;
	s10 =	sshrl.u32 s10, $0x3;
	s12 =	sadd.s32 s12, s2  }
0xd: {  	s11 =	sadd.s32 s9, s7;
	s10 =	sadd.s32 s10, s7;
	s7 =	sadd.s32 s8, s9  }
0xe: {  	s8 =	sadd.s32 $0x2A400, s11;
	s9 =	sadd.s32 $0x36C00, s10;
	s10 =	smax.u32 s13, $0x1  }
0xf: {  	s11 =	sshrl.u32 s12, $0x3;
	s12 =	simm.s32 $0x2;
	s13 =	simm.s32 $0x2800  }
.LBB2_1:
0x10: {  	[spmem:s11], [sflag:s6] =	dma.local [hbm:s5], $0x2800  }
0x11: {  	_ =	swait.ge [sflag:s12], $0x2800  }
0x12: {  	[sflag:s12] =	ssyncset.done $0x0  }
0x13: {  	[sflag:s12] =	ssyncadd.s32 $0xFFFFD800  }
0x14: {  	[tilespmem:s3], [sflag:$0x2] =	stream.linear.gather [hbm4b:s7+s3], $0x2800, $0x38;
	[tilespmem:$0x1D000] =	vst v63  }
0x15: {  	_ =	swait.ge [sflag:s12], $0x2800  }
0x16: {  	[sflag:s12] =	ssyncset.done $0x0  }
0x17: {  	[sflag:s12] =	ssyncadd.s32 $0xFFFFD800  }
0x18: {  	[tilespmem:s13], [sflag:$0x2] =	stream.linear.gather [hbm4b:s8+s3], $0x2800, $0x38;
	[tilespmem:$0x1D000] =	vst v63  }
0x19: {  	_ =	swait.ge [sflag:s12], $0x2800  }
0x1a: {  	[sflag:s12] =	ssyncset.done $0x0  }
0x1b: {  	[sflag:s12] =	ssyncadd.s32 $0xFFFFD800  }
0x1c: {  	s18 =	simm.s32 $0x0;
	[bflag:$0x0] =	sbarrier.arrive $0xFFFF  }
0x1d: {  	[tilespmem:s15], [sflag:$0x1] =	stream.indirect.gather [hbm4b:s4+s14], $0x80, s18, s14, $0xb8;
	[tilespmem:$0x1D000] =	vst v63  }
0x1e: {  	_ =	swait.ge [sflag:s16], $0x4000  }
0x1f: {  	[sflag:s16] =	ssyncset.done $0x0  }
0x20: {  	s31 =	simm.s32 $0x2800;
	[sflag:s16] =	ssyncadd.s32 $0xFFFFC000  }
0x21: {  	[spmem:s2] =	stream.indirect.scatter.add.f32 [tilespmem:s15], [sflag:$0x2], $0x80, s31, s14, $0xb8;
	[tilespmem:$0x1D000] =	vst v63  }
0x22: {  	_ =	swait.ge [sflag:s12], $0x4000  }
0x23: {  	s19 =	simm.s32 $0x400;
	s18 =	simm.s32 $0x200;
	[sflag:s12] =	ssyncset.done $0x0  }
.LBB2_2:
0x24: {  	s20 =	sshra.s32 s18, $0x2  }
0x25: {  	[sflag:s12] =	ssyncadd.s32 $0xFFFFC000;
	s18 =	smov.u32 s19;
	s21 =	sadd.s32 $0x200, s19  }
0x26: {  	[tilespmem:s15], [sflag:$0x1] =	stream.indirect.gather [hbm4b:s4+s14], $0x80, s20, s14, $0xb8;
	[tilespmem:$0x1D000] =	vst v63  }
0x27: {  	p0 =	sne.s32 s19, $0x9E00;
	_ =	swait.ge [sflag:s16], $0x4000  }
.Ltmp0:
0x28: {  	[sflag:s16] =	ssyncset.done $0x0;
	(pc) =	sbr.rel @p0 .LBB2_2-.Ltmp0, $4  }
0x29: {  	s19 =	sadd.s32 $0x2800, s20;
	[sflag:s16] =	ssyncadd.s32 $0xFFFFC000  }
0x2a: {  	[spmem:s2] =	stream.indirect.scatter.add.f32 [tilespmem:s15], [sflag:$0x2], $0x80, s19, s14, $0xb8;
	[tilespmem:$0x1D000] =	vst v63  }
0x2b: {  	_ =	swait.ge [sflag:s12], $0x4000  }
0x2c: {  	s19 =	smov.u32 s21;
	[sflag:s12] =	ssyncset.done $0x0  }
0x2d: {  	s18 =	sshra.s32 s18, $0x2;
	[sflag:s12] =	ssyncadd.s32 $0xFFFFC000  }
0x2e: {  	[tilespmem:s15], [sflag:$0x1] =	stream.indirect.gather [hbm4b:s4+s14], $0x80, s18, s14, $0xb8;
	[tilespmem:$0x1D000] =	vst v63  }
0x2f: {  	_ =	swait.ge [sflag:s16], $0x4000  }
0x30: {  	[sflag:s16] =	ssyncset.done $0x0  }
0x31: {  	s18 =	sadd.s32 $0x2800, s18;
	[sflag:s16] =	ssyncadd.s32 $0xFFFFC000  }
0x32: {  	[spmem:s2] =	stream.indirect.scatter.add.f32 [tilespmem:s15], [sflag:$0x2], $0x80, s18, s14, $0xb8;
	[tilespmem:$0x1D000] =	vst v63  }
0x33: {  	_ =	swait.ge [sflag:s12], $0x4000  }
0x34: {  	s17 =	sadd.s32 $0x1, s17;
	[sflag:s12] =	ssyncset.done $0x0  }
0x35: {  	p0 =	sne.s32 s17, s10;
	[sflag:s12] =	ssyncadd.s32 $0xFFFFC000  }
.Ltmp1:
0x36: {  	[bflag:$0x0] =	sbarrier.arrive $0xFFFF;
	(pc) =	sbr.rel @p0 .LBB2_1-.Ltmp1, $4  }
0x37: {  	[hbm:s9], [sflag:s6] =	dma.local [spmem:s11], $0x2800  }
0x38: {  	_ =	swait.ge [sflag:s12], $0x2800  }
0x39: {  	[sflag:s12] =	ssyncset.done $0x0  }
0x3a: {  	[sflag:s12] =	ssyncadd.s32 $0xFFFFD800  }
0x3b: {  	_ =	sfence.sel $0x180000  }
0x3c: {  	[bflag:$0x0] =	sbarrier.arrive $0xFFFF  }
0x3d: {  	p0 =	sne.s32 s0, $0x0;
	_ =	strace $0x90000047  }
0x3e: {  	s0 =	sadd.s32 @!p0 $0x100000, s1;
	[bflag:$0x2] =	sbarrier.arrive $0xFFFF  }
0x3f: {  	[sflag:s0] =	ssyncadd.tile.s32 @!p0 $0x1;
	_ =	shalt  }
.Lfunc_end2:
_tile_overlayer_lowered:
.L_overlay_start_2:
0x40: {  	(tag) =	ssettag $0x2  }
0x41: {  	s0 =	rddreg [dreg:$0x0];
	s2 =	stileid.u32  }
0x42: {  	s1 =	rddreg [dreg:$0x1];
	p0 =	sne.s32 s2, $0x0  }
0x43: {  	s3 =	rddreg [dreg:$0x2];
	[bflag:$0x3] =	sbarrier.arrive $0xFFFF;
	s2 =	simm.s32 @!p0 $0x1C02  }
0x44: {  	[timem:s3], [sflag:s2] =	dma.local @!p0 [hbm:s0], s1  }
0x45: {  	s0 =	simm.s32 @!p0 $0x2  }
0x46: {  	_ =	swait.ge @!p0 [sflag:s0], s1  }
0x47: {  	s1 =	ssub.s32 @!p0 $0x0, s1;
	[sflag:s0] =	ssyncset.done @!p0 $0x0  }
0x48: {  	[sflag:s0] =	ssyncadd.s32 @!p0 s1  }
0x49: {  	[bflag:$0x3] =	sbarrier.arrive $0xFFFF  }
0x4a: {  	_ =	shalt  }

// kernel: kernel.13.cloned.1.call-start
scs
__scs_entry_jumppad:
0x0: {  	(pc) =	sbr.rel $0x88, $3  }
0x1: {  	(tag) =	ssettag $0x0;
	lr =	simm.s32 $0x1  }
0x2: {  	[smem:$0x3F99] =	sst lr;
	_ =	strace $0xD0000000  }
0x3: {  	_ = 	snop  }
0x4: {  	_ = 	snop  }
0x5: {  	_ = 	snop  }
0x6: {  	_ = 	snop  }
0x7: {  	_ = 	snop  }
__scs_overlays_trampoline_lowered:
0x8: {  	[smem:$0x3FA8] =	sst s0  }
0x9: {  	[smem:$0x3FA9] =	sst s1  }
0xa: {  	[smem:$0x3FAA] =	sst s2  }
0xb: {  	[smem:$0x3FAB] =	sst s3  }
0xc: {  	[smem:$0x3FAC] =	sst s4  }
0xd: {  	[smem:$0x3FAD] =	sst s5  }
0xe: {  	[smem:$0x3FAE] =	sst s6  }
0xf: {  	[smem:$0x3FAF] =	sst s7  }
0x10: {  	[smem:$0x3FB0] =	sst s8  }
0x11: {  	[smem:$0x3FB1] =	sst s9;
	s0 =	simm.s32 @!p0 $0x0  }
0x12: {  	s1 =	sld [smem:$0x3F97];
	s0 =	simm.s32 @p0 $0x1  }
0x13: {  	[smem:$0x3FB2] =	sst s0;
	s0 =	simm.s32 @!p1 $0x0  }
0x14: {  	s2 =	sld [smem:$0x3F96];
	s0 =	simm.s32 @p1 $0x1  }
0x15: {  	[smem:$0x3FB3] =	sst s0;
	s0 =	simm.s32 @!p2 $0x0  }
0x16: {  	s3 =	sld [smem:$0x3FDB];
	s0 =	simm.s32 @p2 $0x1  }
0x17: {  	s4 =	simm.s32 $0x1BF5;
	[smem:$0x3FB5] =	sst s0  }
0x18: {  	s0 =	sld [smem:$0x3F98];
	_ =	swait.ge [sflag:s4], $0x0  }
0x19: {  	s7 =	sld [smem:$0x3F99]  }
0x1a: {  	s8 =	sadd.s32 $0xFFFFE003, lr  }
0x1b: {  	s9 =	sadd.s32 $0xFFFFFEF7, lr;
	s5 =	simm.s32 $0xFFFFFFFF;
	p2 =	slt.u32 s8, $0xFFFFF086  }
0x1c: {  	p1 =	slt.u32 s9, $0xF7A;
	s5 =	simm.s32 @!p2 $0x0  }
0x1d: {  	s5 =	simm.s32 @p1 $0x1;
	p0 =	seq.s32 s7, s2  }
0x1e: {  	s7 =	smul.u32 @!p0 $0xF7A, s2;
	p2 =	seq.s32 @!p0 s5, $0x0  }
0x1f: {  	s9 =	smul.u32 $0xF7A, s1;
	s8 =	simm.s32 @!p0 $0x1BF5;
	p2 =	por !p2, p0  }
0x20: {  	[sflag:s8] =	ssyncset.s32 @!p0 $0xFFFFF086;
	s6 =	sadd.s32 @!p0 s3, s7;
	s7 =	simm.s32 @!p0 $0x108  }
0x21: {  	s3 =	sadd.s32 s3, s9;
	s6 =	sadd.s32 @!p0 $0x88, s6;
	s7 =	simm.s32 @p2 $0x1082  }
0x22: {  	[simem:s7], [sflag:s8] =	dma.local @!p0 [hbm:s6], $0xF7A  }
0x23: {  	s9 =	sor.u32 $0xD0000000, s2;
	s6 =	simm.s32 $0x108;
	_ =	swait.ge @!p0 [sflag:s8], $0x0  }
0x24: {  	s3 =	sadd.s32 $0x88, s3;
	s6 =	simm.s32 @!p1 $0x1082;
	[sflag:s4] =	ssyncset.s32 $0xFFFFF086  }
0x25: {  	[simem:s6], [sflag:s4] =	dma.local [hbm:s3], $0xF7A  }
0x26: {  	[smem:$0x3F99] =	sst s1;
	(tag) =	ssettag s2;
	_ =	strace s9  }
0x27: {  	s1 =	sld [smem:$0x3FA9]  }
0x28: {  	s2 =	sld [smem:$0x3FAA]  }
0x29: {  	s4 =	sld [smem:$0x3FAC]  }
0x2a: {  	p0 =	seq.s32 s5, $0x0;
	s5 =	sld [smem:$0x3FAD]  }
0x2b: {  	s6 =	sld [smem:$0x3FAE]  }
0x2c: {  	s7 =	sld [smem:$0x3FAF]  }
0x2d: {  	s3 =	simm.s32 $0x108;
	s8 =	sld [smem:$0x3FB0]  }
0x2e: {  	s3 =	simm.s32 @!p0 $0x1082;
	s9 =	sld [smem:$0x3FB1]  }
0x2f: {  	lr =	sadd.s32 s0, s3;
	s0 =	sld [smem:$0x3FA8]  }
0x30: {  	s3 =	sld [smem:$0x3FAB]  }
0x31: {  	[smem:$0x3FB4] =	sst s10  }
0x32: {  	s10 =	sld [smem:$0x3FB2];
	_ =	sdelay $0x3  }
0x33: {  	p0 =	seq.s32 s10, $0x1;
	s10 =	sld [smem:$0x3FB4];
	_ =	sdelay $0x3  }
0x34: {  	[smem:$0x3FB4] =	sst s10  }
0x35: {  	s10 =	sld [smem:$0x3FB3];
	_ =	sdelay $0x3  }
0x36: {  	p1 =	seq.s32 s10, $0x1;
	s10 =	sld [smem:$0x3FB4];
	_ =	sdelay $0x3  }
0x37: {  	[smem:$0x3FB4] =	sst s10  }
0x38: {  	s10 =	sld [smem:$0x3FB5]  }
0x39: {  	_ = 	snop;
	(pc) =	sbr.ind lr, $3  }
0x3a: {  	_ = 	snop  }
0x3b: {  	_ = 	snop  }
0x3c: {  	p2 =	seq.s32 s10, $0x1;
	s10 =	sld [smem:$0x3FB4]  }
0x3d: {  	_ =	shalt  }
0x3e: {  	_ =	shalt  }
0x3f: {  	_ =	shalt  }
0x40: {  	_ =	shalt  }
0x41: {  	_ =	shalt  }
0x42: {  	_ =	shalt  }
0x43: {  	_ =	shalt  }
0x44: {  	_ =	shalt  }
0x45: {  	_ =	shalt  }
0x46: {  	_ =	shalt  }
0x47: {  	_ =	shalt  }
0x48: {  	_ =	shalt  }
0x49: {  	_ =	shalt  }
0x4a: {  	_ =	shalt  }
0x4b: {  	_ =	shalt  }
0x4c: {  	_ =	shalt  }
0x4d: {  	_ =	shalt  }
0x4e: {  	_ =	shalt  }
0x4f: {  	_ =	shalt  }
0x50: {  	_ =	shalt  }
0x51: {  	_ =	shalt  }
0x52: {  	_ =	shalt  }
0x53: {  	_ =	shalt  }
0x54: {  	_ =	shalt  }
0x55: {  	_ =	shalt  }
0x56: {  	_ =	shalt  }
0x57: {  	_ =	shalt  }
0x58: {  	_ =	shalt  }
0x59: {  	_ =	shalt  }
0x5a: {  	_ =	shalt  }
0x5b: {  	_ =	shalt  }
0x5c: {  	_ =	shalt  }
0x5d: {  	_ =	shalt  }
0x5e: {  	_ =	shalt  }
0x5f: {  	_ =	shalt  }
0x60: {  	_ =	shalt  }
0x61: {  	_ =	shalt  }
0x62: {  	_ =	shalt  }
0x63: {  	_ =	shalt  }
0x64: {  	_ =	shalt  }
0x65: {  	_ =	shalt  }
0x66: {  	_ =	shalt  }
0x67: {  	_ =	shalt  }
0x68: {  	_ =	shalt  }
0x69: {  	_ =	shalt  }
0x6a: {  	_ =	shalt  }
0x6b: {  	_ =	shalt  }
0x6c: {  	_ =	shalt  }
0x6d: {  	_ =	shalt  }
0x6e: {  	_ =	shalt  }
0x6f: {  	_ =	shalt  }
0x70: {  	_ =	shalt  }
0x71: {  	_ =	shalt  }
0x72: {  	_ =	shalt  }
0x73: {  	_ =	shalt  }
0x74: {  	_ =	shalt  }
0x75: {  	_ =	shalt  }
0x76: {  	_ =	shalt  }
0x77: {  	_ =	shalt  }
0x78: {  	_ =	shalt  }
0x79: {  	_ =	shalt  }
0x7a: {  	_ =	shalt  }
0x7b: {  	_ =	shalt  }
0x7c: {  	_ =	shalt  }
0x7d: {  	_ =	shalt  }
0x7e: {  	_ =	shalt  }
0x7f: {  	_ =	shalt  }
0x80: {  	_ =	shalt  }
0x81: {  	_ =	shalt  }
0x82: {  	_ =	shalt  }
0x83: {  	_ =	shalt  }
0x84: {  	_ =	shalt  }
0x85: {  	_ =	shalt  }
0x86: {  	_ =	shalt  }
0x87: {  	_ =	shalt  }
.Lfunc_end0:
.L_simem_size_0:
called_computation.2_lowered:
.L_overlay_start_0:
0x88: {  	s2 =	sld [smem:$0x3FD9]  }
0x89: {  	s3 =	sld [smem:$0x3FFE];
	_ =	sdelay $0x1  }
0x8a: {  	s1 =	srdreg.scid  }
0x8b: {  	s0 =	sand.u32 $0x1, s1  }
0x8c: {  	s17 =	sshll.u32 s0, $0xA;
	s2 =	sadd.s32 s3, s2  }
0x8d: {  	s2 =	sadd.s32 s2, s17  }
0x8e: {  	[smem:$0x3FC0] =	sst s2  }
0x8f: {  	_ = 	snop  }
0x90: {  	s2 =	sld [smem:$0x3FD0];
	(tm) =	ssettm $0x1  }
0x91: {  	s18 =	sld [smem:$0x3FFB];
	_ =	sdelay $0x3  }
0x92: {  	_ =	strace s18  }
0x93: {  	s3 =	sld [smem:$0x3FFC];
	_ =	sdelay $0x3  }
0x94: {  	_ =	strace s3  }
0x95: {  	s3 =	sld [smem:$0x3FFD];
	_ =	sdelay $0x3  }
0x96: {  	_ =	strace s3  }
0x97: {  	_ =	strace $0x8FFFFFFF  }
0x98: {  	s19 =	sld [smem:$0x3FDB];
	_ =	sdelay $0x1  }
0x99: {  	s4 =	simm.s32 $_scs_section_size  }
0x9a: {  	s5 =	simm.s32 $_size__tile_overlayer_lowered;
	s6 =	simm.s32 $_tile_overlayer_lowered  }
0x9b: {  	s22 =	simm.s32 $0x1BFF;
	s21 =	sshll.u32 s6, $0x1;
	s3 =	sadd.s32 s4, s19  }
0x9c: {  	s7 =	simm.s32 $0x0;
	s20 =	sshll.u32 s5, $0x1;
	s5 =	sadd.s32 s21, s3  }
0x9d: {  	[timem:s7], [sflag:s22] =	dma.local [hbm:s5], s20  }
0x9e: {  	_ =	swait.ge [sflag:s22], s20  }
0x9f: {  	s4 =	ssub.s32 $0x0, s20;
	[sflag:s22] =	ssyncset.done $0x0  }
0xa0: {  	[sflag:s22] =	ssyncadd.s32 s4;
	_ =	sdelay $0x1  }
0xa1: {  	s23 =	simm.s32 $0x1B8B  }
0xa2: {  	_ =	swait.ge [sflag:s23], $0x1  }
0xa3: {  	[sflag:s23] =	ssyncset.done $0x0  }
0xa4: {  	s25 =	simm.s32 $0x1B8E;
	s24 =	sld [smem:$0x3FFE];
	[sflag:s23] =	ssyncadd.s32 $0xFFFFFFFF  }
0xa5: {  	s26 =	simm.s32 $execute0_lowered;
	[smem:$0x3FD2] =	sst s25  }
0xa6: {  	s5 =	sshll.u32 s26, $0x1;
	_ =	strace $0x8000004C;
	[dreg:$0x1] =	wrdreg $0xFFFFFFFF  }
0xa7: {  	s28 =	simm.s32 $_size_execute0_lowered;
	s3 =	sadd.s32 s3, s5;
	[dreg:$0x0] =	wrdreg $0x0  }
0xa8: {  	s5 =	sshll.u32 s28, $0x1;
	[dreg:$0x2] =	wrdreg s3  }
0xa9: {  	[dreg:$0x3] =	wrdreg s5  }
0xaa: {  	[dreg:$0x4] =	wrdreg $0xC0  }
0xab: {  	_ =	task [dreg:s7], $0x5FFFF  }
0xac: {  	[dreg:$0x1] =	wrdreg $0xFFFFFFFF  }
0xad: {  	[dreg:$0x0] =	wrdreg $0x60  }
0xae: {  	[dreg:$0x2] =	wrdreg s24  }
0xaf: {  	[dreg:$0x3] =	wrdreg s2  }
0xb0: {  	[dreg:$0x4] =	wrdreg $0x90000  }
0xb1: {  	[dreg:$0x5] =	wrdreg $0x9  }
0xb2: {  	_ =	task.clear_ibuf [dreg:s7], $0x6FFFF;
	_ =	strace $0x9000004C  }
0xb3: {  	s29 =	simm.s32 $0x9;
	_ =	strace $0x8000004E  }
0xb4: {  	_ =	swait.ge [sflag:s29], $0x1  }
0xb5: {  	[sflag:s29] =	ssyncadd.s32 $0xFFFFFFFF  }
0xb6: {  	_ =	strace $0x9000004E  }
0xb7: {  	_ =	sfence  }
0xb8: {  	s30 =	sld [smem:$0x0];
	_ =	sdelay $0x2  }
0xb9: {  	s31 =	sshll.u32 s1, $0xD;
	s1 =	sshrl.u32 s1, $0x2  }
0xba: {  	s3 =	sand.u32 $0x4000, s31;
	s1 =	sadd.s32 s1, s30  }
0xbb: {  	s0 =	sor.u32 s3, s0;
	s1 =	sshll.u32 s1, $0x11  }
0xbc: {  	s0 =	sor.u32 s1, s0  }
0xbd: {  	s0 =	sadd.s32 $0x8F2B, s0  }
0xbe: {  	[sflag:s0] =	ssyncadd.remote.s32 $0x1  }
0xbf: {  	_ =	sfence.sel $0xFFFF  }
0xc0: {  	[dreg:$0x0] =	wrdreg $0xFFFFFFFF;
	(pc) =	sbr.abs _section_cstart, $3  }
0xc1: {  	[dreg:$0x1] =	wrdreg $0xFFFFFFFF  }
0xc2: {  	_ =	task.clear_ibuf [dreg:s7], $0x2FFFF;
	_ =	strace $0x9FFFFFFF  }
0xc3: {  	(tm) =	ssettm $0x7FFFFFFF  }
tec
execute0_lowered:
.L_overlay_start_1:
0x0: {  	(tag) =	ssettag $0x1  }
0x1: {  	s7 =	rddreg [dreg:$0x0]  }
0x2: {  	s8 =	rddreg [dreg:$0x1]  }
0x3: {  	s0 =	srdreg.scid;
	s2 =	rddreg [dreg:$0x2]  }
0x4: {  	s3 =	simm.s32 $0x0;
	s14 =	simm.s32 $0x80;
	s15 =	simm.s32 $0x5000  }
0x5: {  	s16 =	simm.s32 $0x1;
	s6 =	sand.u32 $0x1, s0;
	s0 =	stileid.u32  }
0x6: {  	s17 =	simm.s32 $0x0;
	[smem:$0x7FF] =	sst s3;
	s5 =	smul.u32 $0x140000, s6  }
0x7: {  	s4 =	sadd.s32 $0x2400, s7;
	s1 =	sshll.u32 s6, $0x4;
	s10 =	smul.u32 $0x14000, s0  }
0x8: {  	s12 =	smul.u32 $0x50000, s0;
	s6 =	ssub.s32 $0x2, s6;
	s1 =	sor.u32 s0, s1  }
0x9: {  	s31 =	sshll.u32 s0, $0x6;
	s30 =	sshrl.u32 s6, $0x1;
	s9 =	smul.u32 $0x500, s1  }
0xa: {  	s1 =	rddreg [dreg:$0x3];
	_ =	strace $0x8000004D;
	s10 =	sadd.s32 s10, s5  }
0xb: {  	s5 =	sadd.s32 $0x34400, s7;
	s12 =	sshrl.u32 s12, $0x2;
	s13 =	ssub.s32 s6, s30  }
0xc: {  	s6 =	sor.u32 $0x1C02, s31;
	s10 =	sshrl.u32 s10, $0x3;
	s12 =	sadd.s32 s12, s2  }
0xd: {  	s11 =	sadd.s32 s9, s7;
	s10 =	sadd.s32 s10, s7;
	s7 =	sadd.s32 s8, s9  }
0xe: {  	s8 =	sadd.s32 $0x2A400, s11;
	s9 =	sadd.s32 $0x36C00, s10;
	s10 =	smax.u32 s13, $0x1  }
0xf: {  	s11 =	sshrl.u32 s12, $0x3;
	s12 =	simm.s32 $0x2;
	s13 =	simm.s32 $0x2800  }
.LBB2_1:
0x10: {  	[spmem:s11], [sflag:s6] =	dma.local [hbm:s5], $0x2800  }
0x11: {  	_ =	swait.ge [sflag:s12], $0x2800  }
0x12: {  	[sflag:s12] =	ssyncset.done $0x0  }
0x13: {  	[sflag:s12] =	ssyncadd.s32 $0xFFFFD800  }
0x14: {  	[tilespmem:s3], [sflag:$0x2] =	stream.linear.gather [hbm4b:s7+s3], $0x2800, $0x38;
	[tilespmem:$0x1D000] =	vst v63  }
0x15: {  	_ =	swait.ge [sflag:s12], $0x2800  }
0x16: {  	[sflag:s12] =	ssyncset.done $0x0  }
0x17: {  	[sflag:s12] =	ssyncadd.s32 $0xFFFFD800  }
0x18: {  	[tilespmem:s13], [sflag:$0x2] =	stream.linear.gather [hbm4b:s8+s3], $0x2800, $0x38;
	[tilespmem:$0x1D000] =	vst v63  }
0x19: {  	_ =	swait.ge [sflag:s12], $0x2800  }
0x1a: {  	[sflag:s12] =	ssyncset.done $0x0  }
0x1b: {  	[sflag:s12] =	ssyncadd.s32 $0xFFFFD800  }
0x1c: {  	s18 =	simm.s32 $0x0;
	[bflag:$0x0] =	sbarrier.arrive $0xFFFF  }
0x1d: {  	[tilespmem:s15], [sflag:$0x1] =	stream.indirect.gather [hbm4b:s4+s14], $0x80, s18, s14, $0xb8;
	[tilespmem:$0x1D000] =	vst v63  }
0x1e: {  	_ =	swait.ge [sflag:s16], $0x4000  }
0x1f: {  	[sflag:s16] =	ssyncset.done $0x0  }
0x20: {  	s31 =	simm.s32 $0x2800;
	[sflag:s16] =	ssyncadd.s32 $0xFFFFC000  }
0x21: {  	[spmem:s2] =	stream.indirect.scatter.add.f32 [tilespmem:s15], [sflag:$0x2], $0x80, s31, s14, $0xb8;
	[tilespmem:$0x1D000] =	vst v63  }
0x22: {  	_ =	swait.ge [sflag:s12], $0x4000  }
0x23: {  	s19 =	simm.s32 $0x400;
	s18 =	simm.s32 $0x200;
	[sflag:s12] =	ssyncset.done $0x0  }
.LBB2_2:
0x24: {  	s20 =	sshra.s32 s18, $0x2  }
0x25: {  	[sflag:s12] =	ssyncadd.s32 $0xFFFFC000;
	s18 =	smov.u32 s19;
	s21 =	sadd.s32 $0x200, s19  }
0x26: {  	[tilespmem:s15], [sflag:$0x1] =	stream.indirect.gather [hbm4b:s4+s14], $0x80, s20, s14, $0xb8;
	[tilespmem:$0x1D000] =	vst v63  }
0x27: {  	p0 =	sne.s32 s19, $0x9E00;
	_ =	swait.ge [sflag:s16], $0x4000  }
.Ltmp0:
0x28: {  	[sflag:s16] =	ssyncset.done $0x0;
	(pc) =	sbr.rel @p0 .LBB2_2-.Ltmp0, $4  }
0x29: {  	s19 =	sadd.s32 $0x2800, s20;
	[sflag:s16] =	ssyncadd.s32 $0xFFFFC000  }
0x2a: {  	[spmem:s2] =	stream.indirect.scatter.add.f32 [tilespmem:s15], [sflag:$0x2], $0x80, s19, s14, $0xb8;
	[tilespmem:$0x1D000] =	vst v63  }
0x2b: {  	_ =	swait.ge [sflag:s12], $0x4000  }
0x2c: {  	s19 =	smov.u32 s21;
	[sflag:s12] =	ssyncset.done $0x0  }
0x2d: {  	s18 =	sshra.s32 s18, $0x2;
	[sflag:s12] =	ssyncadd.s32 $0xFFFFC000  }
0x2e: {  	[tilespmem:s15], [sflag:$0x1] =	stream.indirect.gather [hbm4b:s4+s14], $0x80, s18, s14, $0xb8;
	[tilespmem:$0x1D000] =	vst v63  }
0x2f: {  	_ =	swait.ge [sflag:s16], $0x4000  }
0x30: {  	[sflag:s16] =	ssyncset.done $0x0  }
0x31: {  	s18 =	sadd.s32 $0x2800, s18;
	[sflag:s16] =	ssyncadd.s32 $0xFFFFC000  }
0x32: {  	[spmem:s2] =	stream.indirect.scatter.add.f32 [tilespmem:s15], [sflag:$0x2], $0x80, s18, s14, $0xb8;
	[tilespmem:$0x1D000] =	vst v63  }
0x33: {  	_ =	swait.ge [sflag:s12], $0x4000  }
0x34: {  	s17 =	sadd.s32 $0x1, s17;
	[sflag:s12] =	ssyncset.done $0x0  }
0x35: {  	p0 =	sne.s32 s17, s10;
	[sflag:s12] =	ssyncadd.s32 $0xFFFFC000  }
.Ltmp1:
0x36: {  	[bflag:$0x0] =	sbarrier.arrive $0xFFFF;
	(pc) =	sbr.rel @p0 .LBB2_1-.Ltmp1, $4  }
0x37: {  	[hbm:s9], [sflag:s6] =	dma.local [spmem:s11], $0x2800  }
0x38: {  	_ =	swait.ge [sflag:s12], $0x2800  }
0x39: {  	[sflag:s12] =	ssyncset.done $0x0  }
0x3a: {  	[sflag:s12] =	ssyncadd.s32 $0xFFFFD800  }
0x3b: {  	_ =	sfence.sel $0x180000  }
0x3c: {  	[bflag:$0x0] =	sbarrier.arrive $0xFFFF  }
0x3d: {  	p0 =	sne.s32 s0, $0x0;
	_ =	strace $0x9000004D  }
0x3e: {  	s0 =	sadd.s32 @!p0 $0x100000, s1;
	[bflag:$0x2] =	sbarrier.arrive $0xFFFF  }
0x3f: {  	[sflag:s0] =	ssyncadd.tile.s32 @!p0 $0x1;
	_ =	shalt  }
.Lfunc_end2:
_tile_overlayer_lowered:
.L_overlay_start_2:
0x40: {  	(tag) =	ssettag $0x2  }
0x41: {  	s0 =	rddreg [dreg:$0x0];
	s2 =	stileid.u32  }
0x42: {  	s1 =	rddreg [dreg:$0x1];
	p0 =	sne.s32 s2, $0x0  }
0x43: {  	s3 =	rddreg [dreg:$0x2];
	[bflag:$0x3] =	sbarrier.arrive $0xFFFF;
	s2 =	simm.s32 @!p0 $0x1C02  }
0x44: {  	[timem:s3], [sflag:s2] =	dma.local @!p0 [hbm:s0], s1  }
0x45: {  	s0 =	simm.s32 @!p0 $0x2  }
0x46: {  	_ =	swait.ge @!p0 [sflag:s0], s1  }
0x47: {  	s1 =	ssub.s32 @!p0 $0x0, s1;
	[sflag:s0] =	ssyncset.done @!p0 $0x0  }
0x48: {  	[sflag:s0] =	ssyncadd.s32 @!p0 s1  }
0x49: {  	[bflag:$0x3] =	sbarrier.arrive $0xFFFF  }
0x4a: {  	_ =	shalt  }

// kernel: kernel.7.cloned.1.call-start
scs
__scs_entry_jumppad:
0x0: {  	(pc) =	sbr.rel $0x88, $3  }
0x1: {  	(tag) =	ssettag $0x0;
	lr =	simm.s32 $0x1  }
0x2: {  	[smem:$0x3F99] =	sst lr;
	_ =	strace $0xD0000000  }
0x3: {  	_ = 	snop  }
0x4: {  	_ = 	snop  }
0x5: {  	_ = 	snop  }
0x6: {  	_ = 	snop  }
0x7: {  	_ = 	snop  }
__scs_overlays_trampoline_lowered:
0x8: {  	[smem:$0x3FA8] =	sst s0  }
0x9: {  	[smem:$0x3FA9] =	sst s1  }
0xa: {  	[smem:$0x3FAA] =	sst s2  }
0xb: {  	[smem:$0x3FAB] =	sst s3  }
0xc: {  	[smem:$0x3FAC] =	sst s4  }
0xd: {  	[smem:$0x3FAD] =	sst s5  }
0xe: {  	[smem:$0x3FAE] =	sst s6  }
0xf: {  	[smem:$0x3FAF] =	sst s7  }
0x10: {  	[smem:$0x3FB0] =	sst s8  }
0x11: {  	[smem:$0x3FB1] =	sst s9;
	s0 =	simm.s32 @!p0 $0x0  }
0x12: {  	s1 =	sld [smem:$0x3F97];
	s0 =	simm.s32 @p0 $0x1  }
0x13: {  	[smem:$0x3FB2] =	sst s0;
	s0 =	simm.s32 @!p1 $0x0  }
0x14: {  	s2 =	sld [smem:$0x3F96];
	s0 =	simm.s32 @p1 $0x1  }
0x15: {  	[smem:$0x3FB3] =	sst s0;
	s0 =	simm.s32 @!p2 $0x0  }
0x16: {  	s3 =	sld [smem:$0x3FDB];
	s0 =	simm.s32 @p2 $0x1  }
0x17: {  	s4 =	simm.s32 $0x1BF5;
	[smem:$0x3FB5] =	sst s0  }
0x18: {  	s0 =	sld [smem:$0x3F98];
	_ =	swait.ge [sflag:s4], $0x0  }
0x19: {  	s7 =	sld [smem:$0x3F99]  }
0x1a: {  	s8 =	sadd.s32 $0xFFFFE003, lr  }
0x1b: {  	s9 =	sadd.s32 $0xFFFFFEF7, lr;
	s5 =	simm.s32 $0xFFFFFFFF;
	p2 =	slt.u32 s8, $0xFFFFF086  }
0x1c: {  	p1 =	slt.u32 s9, $0xF7A;
	s5 =	simm.s32 @!p2 $0x0  }
0x1d: {  	s5 =	simm.s32 @p1 $0x1;
	p0 =	seq.s32 s7, s2  }
0x1e: {  	s7 =	smul.u32 @!p0 $0xF7A, s2;
	p2 =	seq.s32 @!p0 s5, $0x0  }
0x1f: {  	s9 =	smul.u32 $0xF7A, s1;
	s8 =	simm.s32 @!p0 $0x1BF5;
	p2 =	por !p2, p0  }
0x20: {  	[sflag:s8] =	ssyncset.s32 @!p0 $0xFFFFF086;
	s6 =	sadd.s32 @!p0 s3, s7;
	s7 =	simm.s32 @!p0 $0x108  }
0x21: {  	s3 =	sadd.s32 s3, s9;
	s6 =	sadd.s32 @!p0 $0x88, s6;
	s7 =	simm.s32 @p2 $0x1082  }
0x22: {  	[simem:s7], [sflag:s8] =	dma.local @!p0 [hbm:s6], $0xF7A  }
0x23: {  	s9 =	sor.u32 $0xD0000000, s2;
	s6 =	simm.s32 $0x108;
	_ =	swait.ge @!p0 [sflag:s8], $0x0  }
0x24: {  	s3 =	sadd.s32 $0x88, s3;
	s6 =	simm.s32 @!p1 $0x1082;
	[sflag:s4] =	ssyncset.s32 $0xFFFFF086  }
0x25: {  	[simem:s6], [sflag:s4] =	dma.local [hbm:s3], $0xF7A  }
0x26: {  	[smem:$0x3F99] =	sst s1;
	(tag) =	ssettag s2;
	_ =	strace s9  }
0x27: {  	s1 =	sld [smem:$0x3FA9]  }
0x28: {  	s2 =	sld [smem:$0x3FAA]  }
0x29: {  	s4 =	sld [smem:$0x3FAC]  }
0x2a: {  	p0 =	seq.s32 s5, $0x0;
	s5 =	sld [smem:$0x3FAD]  }
0x2b: {  	s6 =	sld [smem:$0x3FAE]  }
0x2c: {  	s7 =	sld [smem:$0x3FAF]  }
0x2d: {  	s3 =	simm.s32 $0x108;
	s8 =	sld [smem:$0x3FB0]  }
0x2e: {  	s3 =	simm.s32 @!p0 $0x1082;
	s9 =	sld [smem:$0x3FB1]  }
0x2f: {  	lr =	sadd.s32 s0, s3;
	s0 =	sld [smem:$0x3FA8]  }
0x30: {  	s3 =	sld [smem:$0x3FAB]  }
0x31: {  	[smem:$0x3FB4] =	sst s10  }
0x32: {  	s10 =	sld [smem:$0x3FB2];
	_ =	sdelay $0x3  }
0x33: {  	p0 =	seq.s32 s10, $0x1;
	s10 =	sld [smem:$0x3FB4];
	_ =	sdelay $0x3  }
0x34: {  	[smem:$0x3FB4] =	sst s10  }
0x35: {  	s10 =	sld [smem:$0x3FB3];
	_ =	sdelay $0x3  }
0x36: {  	p1 =	seq.s32 s10, $0x1;
	s10 =	sld [smem:$0x3FB4];
	_ =	sdelay $0x3  }
0x37: {  	[smem:$0x3FB4] =	sst s10  }
0x38: {  	s10 =	sld [smem:$0x3FB5]  }
0x39: {  	_ = 	snop;
	(pc) =	sbr.ind lr, $3  }
0x3a: {  	_ = 	snop  }
0x3b: {  	_ = 	snop  }
0x3c: {  	p2 =	seq.s32 s10, $0x1;
	s10 =	sld [smem:$0x3FB4]  }
0x3d: {  	_ =	shalt  }
0x3e: {  	_ =	shalt  }
0x3f: {  	_ =	shalt  }
0x40: {  	_ =	shalt  }
0x41: {  	_ =	shalt  }
0x42: {  	_ =	shalt  }
0x43: {  	_ =	shalt  }
0x44: {  	_ =	shalt  }
0x45: {  	_ =	shalt  }
0x46: {  	_ =	shalt  }
0x47: {  	_ =	shalt  }
0x48: {  	_ =	shalt  }
0x49: {  	_ =	shalt  }
0x4a: {  	_ =	shalt  }
0x4b: {  	_ =	shalt  }
0x4c: {  	_ =	shalt  }
0x4d: {  	_ =	shalt  }
0x4e: {  	_ =	shalt  }
0x4f: {  	_ =	shalt  }
0x50: {  	_ =	shalt  }
0x51: {  	_ =	shalt  }
0x52: {  	_ =	shalt  }
0x53: {  	_ =	shalt  }
0x54: {  	_ =	shalt  }
0x55: {  	_ =	shalt  }
0x56: {  	_ =	shalt  }
0x57: {  	_ =	shalt  }
0x58: {  	_ =	shalt  }
0x59: {  	_ =	shalt  }
0x5a: {  	_ =	shalt  }
0x5b: {  	_ =	shalt  }
0x5c: {  	_ =	shalt  }
0x5d: {  	_ =	shalt  }
0x5e: {  	_ =	shalt  }
0x5f: {  	_ =	shalt  }
0x60: {  	_ =	shalt  }
0x61: {  	_ =	shalt  }
0x62: {  	_ =	shalt  }
0x63: {  	_ =	shalt  }
0x64: {  	_ =	shalt  }
0x65: {  	_ =	shalt  }
0x66: {  	_ =	shalt  }
0x67: {  	_ =	shalt  }
0x68: {  	_ =	shalt  }
0x69: {  	_ =	shalt  }
0x6a: {  	_ =	shalt  }
0x6b: {  	_ =	shalt  }
0x6c: {  	_ =	shalt  }
0x6d: {  	_ =	shalt  }
0x6e: {  	_ =	shalt  }
0x6f: {  	_ =	shalt  }
0x70: {  	_ =	shalt  }
0x71: {  	_ =	shalt  }
0x72: {  	_ =	shalt  }
0x73: {  	_ =	shalt  }
0x74: {  	_ =	shalt  }
0x75: {  	_ =	shalt  }
0x76: {  	_ =	shalt  }
0x77: {  	_ =	shalt  }
0x78: {  	_ =	shalt  }
0x79: {  	_ =	shalt  }
0x7a: {  	_ =	shalt  }
0x7b: {  	_ =	shalt  }
0x7c: {  	_ =	shalt  }
0x7d: {  	_ =	shalt  }
0x7e: {  	_ =	shalt  }
0x7f: {  	_ =	shalt  }
0x80: {  	_ =	shalt  }
0x81: {  	_ =	shalt  }
0x82: {  	_ =	shalt  }
0x83: {  	_ =	shalt  }
0x84: {  	_ =	shalt  }
0x85: {  	_ =	shalt  }
0x86: {  	_ =	shalt  }
0x87: {  	_ =	shalt  }
.Lfunc_end0:
.L_simem_size_0:
called_computation_lowered:
.L_overlay_start_0:
0x88: {  	s2 =	sld [smem:$0x3FD9]  }
0x89: {  	s3 =	sld [smem:$0x3FFE];
	_ =	sdelay $0x1  }
0x8a: {  	s1 =	srdreg.scid  }
0x8b: {  	s0 =	sand.u32 $0x1, s1  }
0x8c: {  	s17 =	sshll.u32 s0, $0xA;
	s2 =	sadd.s32 s3, s2  }
0x8d: {  	s2 =	sadd.s32 s2, s17  }
0x8e: {  	[smem:$0x3FC0] =	sst s2  }
0x8f: {  	_ = 	snop  }
0x90: {  	(tm) =	ssettm $0x1  }
0x91: {  	s18 =	sld [smem:$0x3FFB];
	_ =	sdelay $0x3  }
0x92: {  	_ =	strace s18  }
0x93: {  	s2 =	sld [smem:$0x3FFC];
	_ =	sdelay $0x3  }
0x94: {  	_ =	strace s2  }
0x95: {  	s2 =	sld [smem:$0x3FFD];
	_ =	sdelay $0x3  }
0x96: {  	_ =	strace s2  }
0x97: {  	_ =	strace $0x8FFFFFFF  }
0x98: {  	s19 =	sld [smem:$0x3FDB];
	_ =	sdelay $0x1  }
0x99: {  	s20 =	simm.s32 $_scs_section_size  }
0x9a: {  	s4 =	simm.s32 $_size__tile_overlayer_lowered;
	s5 =	simm.s32 $_tile_overlayer_lowered  }
0x9b: {  	s6 =	simm.s32 $0x1BFF;
	s21 =	sshll.u32 s5, $0x1;
	s3 =	sadd.s32 s20, s19  }
0x9c: {  	s22 =	simm.s32 $0x0;
	s4 =	sshll.u32 s4, $0x1;
	s5 =	sadd.s32 s21, s3  }
0x9d: {  	[timem:s22], [sflag:s6] =	dma.local [hbm:s5], s4  }
0x9e: {  	_ =	swait.ge [sflag:s6], s4  }
0x9f: {  	s4 =	ssub.s32 $0x0, s4;
	[sflag:s6] =	ssyncset.done $0x0  }
0xa0: {  	[sflag:s6] =	ssyncadd.s32 s4;
	_ =	sdelay $0x1  }
0xa1: {  	s23 =	simm.s32 $0x1B8B  }
0xa2: {  	_ =	swait.ge [sflag:s23], $0x1  }
0xa3: {  	[sflag:s23] =	ssyncset.done $0x0  }
0xa4: {  	[sflag:s23] =	ssyncadd.s32 $0xFFFFFFFF  }
0xa5: {  	s4 =	sld [smem:$0x0]  }
0xa6: {  	s5 =	sand.u32 $0xFFFFFFFE, s1  }
0xa7: {  	p0 =	sne.s32 s1, s5  }
0xa8: {  	s5 =	sshll.u32 @p0 s5, $0xE  }
0xa9: {  	s5 =	sadd.s32 @p0 $0x11B8D, s5;
	s6 =	sshll.u32 @p0 s4, $0x11  }
0xaa: {  	s5 =	sor.u32 @p0 s6, s5  }
0xab: {  	[sflag:s5] =	ssyncadd.remote.s32 @p0 $0x1;
	_ =	sdelay $0x1  }
0xac: {  	s5 =	simm.s32 @p0 $0x1B8D  }
0xad: {  	_ =	swait.eq @p0 [sflag:s5], $0x1  }
0xae: {  	[sflag:s5] =	ssyncadd.s32 @p0 $0xFFFFFFFF  }
0xaf: {  	s6 =	sshll.u32 @!p0 s1, $0xE  }
0xb0: {  	s6 =	sor.u32 @!p0 $0x4000, s6;
	s5 =	simm.s32 @!p0 $0x1B8D  }
0xb1: {  	s4 =	sshll.u32 @!p0 s4, $0x11;
	s6 =	sadd.s32 @!p0 $0x11B8D, s6;
	_ =	swait.eq @!p0 [sflag:s5], $0x1  }
0xb2: {  	s4 =	sor.u32 @!p0 s4, s6;
	[sflag:s5] =	ssyncadd.s32 @!p0 $0xFFFFFFFF  }
0xb3: {  	s25 =	simm.s32 $0x1B8E;
	s24 =	sld [smem:$0x3FFE];
	[sflag:s4] =	ssyncadd.remote.s32 @!p0 $0x1  }
0xb4: {  	s26 =	simm.s32 $execute0_lowered;
	[smem:$0x3FD2] =	sst s25  }
0xb5: {  	s5 =	sshll.u32 s26, $0x1;
	_ =	strace $0x80000049;
	[dreg:$0x1] =	wrdreg $0xFFFFFFFF  }
0xb6: {  	s28 =	simm.s32 $_size_execute0_lowered;
	s3 =	sadd.s32 s3, s5;
	[dreg:$0x0] =	wrdreg $0x0  }
0xb7: {  	s5 =	sshll.u32 s28, $0x1;
	[dreg:$0x2] =	wrdreg s3  }
0xb8: {  	[dreg:$0x3] =	wrdreg s5  }
0xb9: {  	[dreg:$0x4] =	wrdreg $0xC0  }
0xba: {  	_ =	task [dreg:s22], $0x5FFFF  }
0xbb: {  	[dreg:$0x1] =	wrdreg $0xFFFFFFFF  }
0xbc: {  	[dreg:$0x0] =	wrdreg $0x60  }
0xbd: {  	[dreg:$0x2] =	wrdreg s24  }
0xbe: {  	[dreg:$0x3] =	wrdreg $0x68000  }
0xbf: {  	[dreg:$0x4] =	wrdreg $0x9  }
0xc0: {  	_ =	task.clear_ibuf [dreg:s22], $0x5FFFF;
	_ =	strace $0x90000049  }
0xc1: {  	s29 =	simm.s32 $0x9;
	_ =	strace $0x8000004B  }
0xc2: {  	_ =	swait.ge [sflag:s29], $0x1  }
0xc3: {  	[sflag:s29] =	ssyncadd.s32 $0xFFFFFFFF  }
0xc4: {  	_ =	strace $0x9000004B  }
0xc5: {  	_ =	sfence  }
0xc6: {  	s30 =	sld [smem:$0x0];
	_ =	sdelay $0x2  }
0xc7: {  	s31 =	sshll.u32 s1, $0xD;
	s1 =	sshrl.u32 s1, $0x2  }
0xc8: {  	s4 =	sand.u32 $0x4000, s31;
	s1 =	sadd.s32 s1, s30  }
0xc9: {  	s0 =	sor.u32 s4, s0;
	s1 =	sshll.u32 s1, $0x11  }
0xca: {  	s0 =	sor.u32 s1, s0  }
0xcb: {  	s0 =	sadd.s32 $0x8F2B, s0  }
0xcc: {  	[sflag:s0] =	ssyncadd.remote.s32 $0x1  }
0xcd: {  	_ =	sfence.sel $0xFFFF  }
0xce: {  	[dreg:$0x0] =	wrdreg $0xFFFFFFFF;
	(pc) =	sbr.abs _section_cstart, $3  }
0xcf: {  	[dreg:$0x1] =	wrdreg $0xFFFFFFFF  }
0xd0: {  	_ =	task.clear_ibuf [dreg:s22], $0x2FFFF;
	_ =	strace $0x9FFFFFFF  }
0xd1: {  	(tm) =	ssettm $0x7FFFFFFF  }
tec
execute0_lowered:
.L_overlay_start_1:
0x0: {  	(tag) =	ssettag $0x1  }
0x1: {  	s7 =	rddreg [dreg:$0x0]  }
0x2: {  	s0 =	srdreg.scid;
	s2 =	rddreg [dreg:$0x1]  }
0x3: {  	s3 =	simm.s32 $0x0;
	s12 =	simm.s32 $0x2800;
	s6 =	sand.u32 $0x1, s0  }
0x4: {  	s13 =	simm.s32 $0x80;
	s0 =	stileid.u32;
	s5 =	smul.u32 $0x140000, s6  }
0x5: {  	s14 =	simm.s32 $0x0;
	[smem:$0x7FF] =	sst s3;
	s8 =	smul.u32 $0x14000, s0  }
0x6: {  	s1 =	sshll.u32 s6, $0x4;
	s10 =	smul.u32 $0x50000, s0;
	s6 =	ssub.s32 $0x2, s6  }
0x7: {  	s31 =	sshll.u32 s0, $0x6;
	s1 =	sor.u32 s0, s1;
	s30 =	sshrl.u32 s6, $0x1  }
0x8: {  	s4 =	smul.u32 $0x500, s1;
	s1 =	rddreg [dreg:$0x2];
	_ =	strace $0x8000004A  }
0x9: {  	s8 =	sadd.s32 s8, s5;
	s5 =	sadd.s32 $0x86C00, s7;
	s10 =	sshrl.u32 s10, $0x2  }
0xa: {  	s11 =	ssub.s32 s6, s30;
	s6 =	sor.u32 $0x1C01, s31;
	s8 =	sshrl.u32 s8, $0x3  }
0xb: {  	s10 =	sadd.s32 s10, s2;
	s9 =	sadd.s32 s4, s7;
	s4 =	sadd.s32 $0x34400, s7  }
0xc: {  	s8 =	sadd.s32 s8, s7;
	s10 =	sshrl.u32 s10, $0x3;
	s7 =	sadd.s32 $0x2A400, s9  }
0xd: {  	s8 =	sadd.s32 $0x87400, s8;
	s9 =	smax.u32 s11, $0x1;
	s11 =	simm.s32 $0x1  }
.LBB2_1:
0xe: {  	[spmem:s10], [sflag:s6] =	dma.local [hbm:s4], $0x2800  }
0xf: {  	_ =	swait.ge [sflag:s11], $0x2800  }
0x10: {  	[sflag:s11] =	ssyncset.done $0x0  }
0x11: {  	[sflag:s11] =	ssyncadd.s32 $0xFFFFD800  }
0x12: {  	[tilespmem:s12], [sflag:$0x1] =	stream.linear.gather [hbm4b:s5+s3], $0x4000, $0x38;
	[tilespmem:$0x1A800] =	vst v63  }
0x13: {  	_ =	swait.ge [sflag:s11], $0x4000  }
0x14: {  	[sflag:s11] =	ssyncset.done $0x0  }
0x15: {  	[sflag:s11] =	ssyncadd.s32 $0xFFFFC000  }
0x16: {  	[tilespmem:s3], [sflag:$0x1] =	stream.linear.gather [hbm4b:s7+s3], $0x2800, $0x38;
	[tilespmem:$0x1A800] =	vst v63  }
0x17: {  	_ =	swait.ge [sflag:s11], $0x2800  }
0x18: {  	[sflag:s11] =	ssyncset.done $0x0  }
0x19: {  	[sflag:s11] =	ssyncadd.s32 $0xFFFFD800  }
0x1a: {  	s15 =	simm.s32 $0x0;
	[bflag:$0x0] =	sbarrier.arrive $0xFFFF  }
0x1b: {  	[spmem:s2] =	stream.indirect.scatter.add.f32 [tilespmem:s12], [sflag:$0x1], $0x80, s15, s13, $0xb8;
	[tilespmem:$0x1A800] =	vst v63  }
0x1c: {  	_ =	swait.ge [sflag:s11], $0x4000  }
0x1d: {  	s15 =	simm.s32 $0x200;
	[sflag:s11] =	ssyncset.done $0x0  }
.LBB2_2:
0x1e: {  	s16 =	sshra.s32 s15, $0x2;
	[sflag:s11] =	ssyncadd.s32 $0xFFFFC000;
	p0 =	sne.s32 s15, $0x9E00  }
0x1f: {  	[spmem:s2] =	stream.indirect.scatter.add.f32 [tilespmem:s12], [sflag:$0x1], $0x80, s16, s13, $0xb8;
	[tilespmem:$0x1A800] =	vst v63  }
.Ltmp0:
0x20: {  	_ = 	snop;
	(pc) =	sbr.rel @p0 .LBB2_2-.Ltmp0, $4  }
0x21: {  	_ = 	snop  }
0x22: {  	s15 =	sadd.s32 $0x200, s15  }
0x23: {  	_ =	swait.ge [sflag:s11], $0x4000  }
0x24: {  	[sflag:s11] =	ssyncset.done $0x0  }
0x25: {  	s14 =	sadd.s32 $0x1, s14  }
0x26: {  	[sflag:s11] =	ssyncadd.s32 $0xFFFFC000;
	p0 =	sne.s32 s14, s9  }
.Ltmp1:
0x27: {  	[bflag:$0x0] =	sbarrier.arrive $0xFFFF;
	(pc) =	sbr.rel @p0 .LBB2_1-.Ltmp1, $4  }
0x28: {  	[hbm:s8], [sflag:s6] =	dma.local [spmem:s10], $0x2800  }
0x29: {  	_ =	swait.ge [sflag:s11], $0x2800  }
0x2a: {  	[sflag:s11] =	ssyncset.done $0x0  }
0x2b: {  	[sflag:s11] =	ssyncadd.s32 $0xFFFFD800  }
0x2c: {  	_ =	sfence.sel $0x180000  }
0x2d: {  	[bflag:$0x0] =	sbarrier.arrive $0xFFFF  }
0x2e: {  	p0 =	sne.s32 s0, $0x0;
	_ =	strace $0x9000004A  }
0x2f: {  	s0 =	sadd.s32 @!p0 $0x100000, s1;
	[bflag:$0x2] =	sbarrier.arrive $0xFFFF  }
0x30: {  	[sflag:s0] =	ssyncadd.tile.s32 @!p0 $0x1;
	_ =	shalt  }
.Lfunc_end2:
_tile_overlayer_lowered:
.L_overlay_start_2:
0x31: {  	(tag) =	ssettag $0x2  }
0x32: {  	s0 =	rddreg [dreg:$0x0];
	s2 =	stileid.u32  }
0x33: {  	s1 =	rddreg [dreg:$0x1];
	p0 =	sne.s32 s2, $0x0  }
0x34: {  	s3 =	rddreg [dreg:$0x2];
	[bflag:$0x3] =	sbarrier.arrive $0xFFFF;
	s2 =	simm.s32 @!p0 $0x1C01  }
0x35: {  	[timem:s3], [sflag:s2] =	dma.local @!p0 [hbm:s0], s1  }
0x36: {  	s0 =	simm.s32 @!p0 $0x1  }
0x37: {  	_ =	swait.ge @!p0 [sflag:s0], s1  }
0x38: {  	s1 =	ssub.s32 @!p0 $0x0, s1;
	[sflag:s0] =	ssyncset.done @!p0 $0x0  }
0x39: {  	[sflag:s0] =	ssyncadd.s32 @!p0 s1  }
0x3a: {  	[bflag:$0x3] =	sbarrier.arrive $0xFFFF  }
0x3b: {  	_ =	shalt  }

</sc_bundles>
